<compile_context>
chip_gen: v7x
topology: tpu7x:2x2x1
jax: 0.10.2.dev20260603
libtpu: 0.0.44.dev20260713+nightly
codegen_flags: <defaults>
</compile_context>

<pallas_src>
import functools

import jax
import jax.numpy as jnp
from jax import lax
from jax.experimental import pallas as pl
from jax.experimental.pallas import tpu as pltpu
from jax.experimental.pallas import tpu_sc as plsc

_LANES = 16


def _sc_gather(p1_flat, p2_flat, c_flat, t1_flat, t2_flat, v1, v2, n_tok):
    info = plsc.get_sparse_core_info()
    nc, ns = info.num_cores, info.num_subcores
    nw = nc * ns
    chunk = n_tok // nw
    assert chunk % _LANES == 0 and (chunk * 4) % 8 == 0

    mesh = plsc.VectorSubcoreMesh(core_axis_name="c", subcore_axis_name="s")

    @functools.partial(
        pl.kernel,
        out_type=[
            jax.ShapeDtypeStruct((n_tok,), jnp.float32),
            jax.ShapeDtypeStruct((n_tok,), jnp.float32),
        ],
        mesh=mesh,
        scratch_types=[
            pltpu.VMEM((chunk,), jnp.int32),
            pltpu.VMEM((chunk,), jnp.int32),
            pltpu.VMEM((chunk,), jnp.int32),
            pltpu.VMEM((chunk,), jnp.int32),
            pltpu.VMEM((chunk,), jnp.int32),
            pltpu.VMEM((chunk,), jnp.float32),
            pltpu.VMEM((chunk,), jnp.float32),
            pltpu.VMEM((chunk,), jnp.float32),
            pltpu.SemaphoreType.DMA,
            pltpu.SemaphoreType.DMA,
            pltpu.SemaphoreType.DMA,
            pltpu.SemaphoreType.DMA,
            pltpu.SemaphoreType.DMA,
        ],
    )
    def k(p1_hbm, p2_hbm, c_hbm, t1_hbm, t2_hbm,
          y1_hbm, y2_hbm,
          t1_v, t2_v, i1_v, i2_v, ic_v, r1_v, r2_v, rc_v,
          sem1, sem2, sem3, sem4, sem5):
        wid = lax.axis_index("s") * nc + lax.axis_index("c")
        base = wid * chunk
        in_sl = pl.ds(base, chunk)
        ld1 = pltpu.async_copy(t1_hbm.at[in_sl], t1_v, sem4)
        ld2 = pltpu.async_copy(t2_hbm.at[in_sl], t2_v, sem5)
        iota = lax.broadcasted_iota(jnp.int32, (_LANES,), 0)
        ld1.wait()
        for i in range(chunk // _LANES):
            sl = pl.ds(i * _LANES, _LANES)
            t1 = t1_v[sl]
            s1 = jnp.where(t1 == -100, 0, t1)
            tok = base + i * _LANES + iota
            i1_v[sl] = (lax.shift_right_logical(tok, 3) * (v1 * 8)
                        + lax.shift_right_logical(s1, 7) * 1024
                        + jnp.bitwise_and(tok, 7) * 128
                        + jnp.bitwise_and(s1, 127))
        cp1 = pltpu.async_copy(p1_hbm.at[i1_v], r1_v, sem1)
        ld2.wait()
        for i in range(chunk // _LANES):
            sl = pl.ds(i * _LANES, _LANES)
            t1 = t1_v[sl]
            t2 = t2_v[sl]
            s1 = jnp.where(t1 == -100, 0, t1)
            s2 = jnp.where(t2 == -100, 0, t2)
            ic_v[sl] = (lax.shift_right_logical(s1, 3) * (v2 * 8)
                        + lax.shift_right_logical(s2, 7) * 1024
                        + jnp.bitwise_and(s1, 7) * 128
                        + jnp.bitwise_and(s2, 127))
        cp3 = pltpu.async_copy(c_hbm.at[ic_v], rc_v, sem3)
        for i in range(chunk // _LANES):
            sl = pl.ds(i * _LANES, _LANES)
            t2 = t2_v[sl]
            s2 = jnp.where(t2 == -100, 0, t2)
            tok = base + i * _LANES + iota
            i2_v[sl] = (lax.shift_right_logical(tok, 3) * (v2 * 8)
                        + lax.shift_right_logical(s2, 7) * 1024
                        + jnp.bitwise_and(tok, 7) * 128
                        + jnp.bitwise_and(s2, 127))
        cp2 = pltpu.async_copy(p2_hbm.at[i2_v], r2_v, sem2)
        out_sl = pl.ds(base, chunk)
        cp1.wait()
        cp3.wait()
        for i in range(chunk // _LANES):
            sl = pl.ds(i * _LANES, _LANES)
            c = jnp.clip(rc_v[sl], 0.0, 1.0)
            m1 = t1_v[sl] != -100
            r1_v[sl] = jnp.where(m1, r1_v[sl] * c, 1.0)
        st1 = pltpu.async_copy(r1_v, y1_hbm.at[out_sl], sem4)
        cp2.wait()
        for i in range(chunk // _LANES):
            sl = pl.ds(i * _LANES, _LANES)
            c = jnp.clip(rc_v[sl], 0.0, 1.0)
            m2 = t2_v[sl] != -100
            r2_v[sl] = jnp.where(m2, r2_v[sl] * c, 1.0)
        st2 = pltpu.async_copy(r2_v, y2_hbm.at[out_sl], sem5)
        st1.wait()
        st2.wait()

    return k(p1_flat, p2_flat, c_flat, t1_flat, t2_flat)


def _tc_loss_body(y1_ref, y2_ref, t1_ref, t2_ref, out_ref):
    n1 = jnp.maximum(jnp.sum((t1_ref[...] != -100).astype(jnp.float32)), 1.0)
    n2 = jnp.maximum(jnp.sum((t2_ref[...] != -100).astype(jnp.float32)), 1.0)
    s1 = jnp.sum(-jnp.log(y1_ref[...]))
    s2 = jnp.sum(-jnp.log(y2_ref[...]))
    out_ref[0, 0] = s1 / n1 + s2 / n2


def _tile_order_view(x):
    r, c = x.shape
    return x.reshape(r // 8, 8, c // 128, 128).transpose(0, 2, 1, 3).reshape(-1)


def kernel(dec1_probs, dec2_probs, dec1_tgt, dec2_tgt, constrainer):
    b, l, v1 = dec1_probs.shape
    v2 = dec2_probs.shape[2]
    n_tok = b * l

    y1, y2 = _sc_gather(
        _tile_order_view(dec1_probs.reshape(n_tok, v1)),
        _tile_order_view(dec2_probs.reshape(n_tok, v2)),
        _tile_order_view(constrainer),
        dec1_tgt.reshape(-1),
        dec2_tgt.reshape(-1),
        v1, v2, n_tok,
    )

    out = pl.pallas_call(
        _tc_loss_body,
        out_shape=jax.ShapeDtypeStruct((1, 1), jnp.float32),
        out_specs=pl.BlockSpec(memory_space=pltpu.SMEM),
    )(y1, y2, dec1_tgt, dec2_tgt)
    return out[0, 0]

# --- scband reference (transcript-rebuilt; emitter-appended) ---
"""Pipeline reference for scband-constrainer-70145405878576 (READ-ONLY COPY).

The authoritative reference and input builder live on the scoring server;
editing this copy changes nothing except your own understanding.
"""

import jax, jax.numpy as jnp
import numpy as np

VOCAB1 = 8192
VOCAB2 = 8192
B = 4
L = 1024


def _nll_loss(log_probs_bvl, target):
    # NLLLoss with mean reduction and ignore_index=-100 (torch default)
    mask = target != -100
    tgt_safe = jnp.where(mask, target, 0)
    gathered = jnp.take_along_axis(log_probs_bvl, tgt_safe[:, None, :], axis=1)[:, 0, :]
    num = jnp.sum(jnp.where(mask, -gathered, 0.0))
    den = jnp.maximum(jnp.sum(mask.astype(jnp.float32)), 1.0)
    return num / den


def setup_inputs(seed: int = 0) -> dict:
    key = jax.random.key(seed)
    k1, k2, k3, k4, k5 = jax.random.split(key, 5)
    dec1_probs = jax.random.uniform(k1, (B, L, VOCAB1), dtype=jnp.float32)
    dec2_probs = jax.random.uniform(k2, (B, L, VOCAB2), dtype=jnp.float32)
    dec1_tgt = jax.random.randint(k3, (B, L), 0, VOCAB1, dtype=jnp.int32)
    dec2_tgt = jax.random.randint(k4, (B, L), 0, VOCAB2, dtype=jnp.int32)
    # learned parameter: constrainer initialized uniform(0.1, 1.0)
    constrainer = jax.random.uniform(k5, (VOCAB1, VOCAB2), dtype=jnp.float32, minval=0.1, maxval=1.0)
    return {
        "dec1_probs": dec1_probs,
        "dec2_probs": dec2_probs,
        "dec1_tgt": dec1_tgt,
        "dec2_tgt": dec2_tgt,
        "constrainer": constrainer,
    }


def reference(dec1_probs, dec2_probs, dec1_tgt, dec2_tgt, constrainer):
    pad = 0
    dec1_seq = jnp.where(dec1_tgt == -100, pad, dec1_tgt)
    dec2_seq = jnp.where(dec2_tgt == -100, pad, dec2_tgt)
    # constrainer.T[dec2_seq] -> [B, L, vocab1]; constrainer[dec1_seq] -> [B, L, vocab2]
    c_t_rows = jnp.take(jnp.transpose(constrainer, (1, 0)), dec2_seq, axis=0)
    c_rows = jnp.take(constrainer, dec1_seq, axis=0)
    d1p = dec1_probs * jnp.clip(c_t_rows, 0.0, 1.0)
    d2p = dec2_probs * jnp.clip(c_rows, 0.0, 1.0)
    dec1_loss = _nll_loss(jnp.log(jnp.transpose(d1p, (0, 2, 1))), dec1_tgt)
    dec2_loss = _nll_loss(jnp.log(jnp.transpose(d2p, (0, 2, 1))), dec2_tgt)
    return dec1_loss + dec2_loss

if __name__ == "__main__":
    import jax
    _d = setup_inputs()
    print(jax.jit(kernel)(*tuple(_d.values())))

</pallas_src>

<mosaic_0001>
#map = affine_map<(d0, d1) -> (0)>
module attributes {stable_mosaic.version = 14 : i64} {
  func.func @k(%arg0: i32, %arg1: i32, %arg2: memref<33554432xf32, #tpu.memory_space<hbm>>, %arg3: memref<33554432xf32, #tpu.memory_space<hbm>>, %arg4: memref<67108864xf32, #tpu.memory_space<hbm>>, %arg5: memref<4096xi32, #tpu.memory_space<hbm>>, %arg6: memref<4096xi32, #tpu.memory_space<hbm>>, %arg7: memref<4096xf32, #tpu.memory_space<hbm>>, %arg8: memref<4096xf32, #tpu.memory_space<hbm>>, %arg9: memref<128xi32, #tpu.memory_space<vmem>>, %arg10: memref<128xi32, #tpu.memory_space<vmem>>, %arg11: memref<128xi32, #tpu.memory_space<vmem>>, %arg12: memref<128xi32, #tpu.memory_space<vmem>>, %arg13: memref<128xi32, #tpu.memory_space<vmem>>, %arg14: memref<128xf32, #tpu.memory_space<vmem>>, %arg15: memref<128xf32, #tpu.memory_space<vmem>>, %arg16: memref<128xf32, #tpu.memory_space<vmem>>, %arg17: memref<!tpu.dma_semaphore, #tpu.memory_space<semaphore_mem>>, %arg18: memref<!tpu.dma_semaphore, #tpu.memory_space<semaphore_mem>>, %arg19: memref<!tpu.dma_semaphore, #tpu.memory_space<semaphore_mem>>, %arg20: memref<!tpu.dma_semaphore, #tpu.memory_space<semaphore_mem>>, %arg21: memref<!tpu.dma_semaphore, #tpu.memory_space<semaphore_mem>>) attributes {dimension_semantics = [#tpu.dimension_semantics<core_parallel>, #tpu.dimension_semantics<subcore_parallel>], iteration_bounds = array<i64: 2, 16>, scalar_prefetch = 0 : i64, scratch_operands = 13 : i64, tpu.core_type = #tpu.core_type<sc_vector_subcore>, window_params = [{transform_indices = #map}, {transform_indices = #map}, {transform_indices = #map}, {transform_indices = #map}, {transform_indices = #map}, {transform_indices = #map}, {transform_indices = #map}]} {
    %mul3A = arith.constant 2 : i32
    %mul3A_0 = arith.muli %arg1, %mul3A : i32
    %add3A = arith.addi %mul3A_0, %arg0 : i32
    %mul3A_1 = arith.constant 128 : i32
    %mul3A_2 = arith.muli %add3A, %mul3A_1 : i32
    %dma_start3A = tpu.memref_slice %arg5[%mul3A_2] : memref<4096xi32, #tpu.memory_space<hbm>> -> memref<128xi32, #tpu.memory_space<hbm>>
    %dma_start3A_3 = tpu.memref_slice %arg5[%mul3A_2] : memref<4096xi32, #tpu.memory_space<hbm>> -> memref<128xi32, #tpu.memory_space<hbm>>
    tpu.enqueue_dma source(%dma_start3A_3 : memref<128xi32, #tpu.memory_space<hbm>>) target(%arg9 : memref<128xi32, #tpu.memory_space<vmem>>) target_semaphore(%arg20 : memref<!tpu.dma_semaphore, #tpu.memory_space<semaphore_mem>>)
    %dma_start3A_4 = tpu.memref_slice %arg6[%mul3A_2] : memref<4096xi32, #tpu.memory_space<hbm>> -> memref<128xi32, #tpu.memory_space<hbm>>
    %dma_start3A_5 = tpu.memref_slice %arg6[%mul3A_2] : memref<4096xi32, #tpu.memory_space<hbm>> -> memref<128xi32, #tpu.memory_space<hbm>>
    tpu.enqueue_dma source(%dma_start3A_5 : memref<128xi32, #tpu.memory_space<hbm>>) target(%arg10 : memref<128xi32, #tpu.memory_space<vmem>>) target_semaphore(%arg21 : memref<!tpu.dma_semaphore, #tpu.memory_space<semaphore_mem>>)
    %iota3A = tpu.iota {dimensions = array<i32: 0>} : vector<16xi32>
    %dma_wait3A = tpu.memref_slice %arg5[%mul3A_2] : memref<4096xi32, #tpu.memory_space<hbm>> -> memref<128xi32, #tpu.memory_space<hbm>>
    %dma_wait3A_6 = tpu.memref_slice %arg5[%mul3A_2] : memref<4096xi32, #tpu.memory_space<hbm>> -> memref<128xi32, #tpu.memory_space<hbm>>
    tpu.wait_dma2 semaphore(%arg20 : memref<!tpu.dma_semaphore, #tpu.memory_space<semaphore_mem>>) src(%dma_wait3A_6 : memref<128xi32, #tpu.memory_space<hbm>>) dst(%arg9 : memref<128xi32, #tpu.memory_space<vmem>>)
    %get3A = arith.constant 0 : index
    %get3A_7 = tpu.vector_load %arg9[%get3A] {strides = array<i32>} : memref<128xi32, #tpu.memory_space<vmem>>, vector<16xi32>,
    %get3A_8 = vector.shape_cast %get3A_7 : vector<16xi32> to vector<16xi32>
    %eq3A = arith.constant -100 : i32
    %eq3A_9 = vector.broadcast %eq3A : i32 to vector<16xi32>
    %eq3A_10 = arith.cmpi eq, %get3A_8, %eq3A_9 : vector<16xi32>
    %jit3A = arith.constant 0 : i32
    %broadcast_in_dim3A = vector.broadcast %jit3A : i32 to vector<16xi32>
    %select_n3A = arith.select %eq3A_10, %broadcast_in_dim3A, %get3A_8 : vector<16xi1>, vector<16xi32>
    %add3A_11 = arith.constant 0 : i32
    %add3A_12 = arith.addi %mul3A_2, %add3A_11 : i32
    %add3A_13 = vector.broadcast %add3A_12 : i32 to vector<16xi32>
    %add3A_14 = arith.addi %add3A_13, %iota3A : vector<16xi32>
    %shift_right_logical3A = arith.constant 3 : i32
    %shift_right_logical3A_15 = vector.broadcast %shift_right_logical3A : i32 to vector<16xi32>
    %shift_right_logical3A_16 = arith.shrui %add3A_14, %shift_right_logical3A_15 : vector<16xi32>
    %mul3A_17 = arith.constant 65536 : i32
    %mul3A_18 = vector.broadcast %mul3A_17 : i32 to vector<16xi32>
    %mul3A_19 = arith.muli %shift_right_logical3A_16, %mul3A_18 : vector<16xi32>
    %shift_right_logical3A_20 = arith.constant 7 : i32
    %shift_right_logical3A_21 = vector.broadcast %shift_right_logical3A_20 : i32 to vector<16xi32>
    %shift_right_logical3A_22 = arith.shrui %select_n3A, %shift_right_logical3A_21 : vector<16xi32>
    %mul3A_23 = arith.constant 1024 : i32
    %mul3A_24 = vector.broadcast %mul3A_23 : i32 to vector<16xi32>
    %mul3A_25 = arith.muli %shift_right_logical3A_22, %mul3A_24 : vector<16xi32>
    %add3A_26 = arith.addi %mul3A_19, %mul3A_25 : vector<16xi32>
    %and3A = arith.constant 7 : i32
    %and3A_27 = vector.broadcast %and3A : i32 to vector<16xi32>
    %and3A_28 = arith.andi %add3A_14, %and3A_27 : vector<16xi32>
    %mul3A_29 = arith.constant 128 : i32
    %mul3A_30 = vector.broadcast %mul3A_29 : i32 to vector<16xi32>
    %mul3A_31 = arith.muli %and3A_28, %mul3A_30 : vector<16xi32>
    %add3A_32 = arith.addi %add3A_26, %mul3A_31 : vector<16xi32>
    %and3A_33 = arith.constant 127 : i32
    %and3A_34 = vector.broadcast %and3A_33 : i32 to vector<16xi32>
    %and3A_35 = arith.andi %select_n3A, %and3A_34 : vector<16xi32>
    %add3A_36 = arith.addi %add3A_32, %and3A_35 : vector<16xi32>
    %swap3A = arith.constant 0 : index
    %swap3A_37 = tpu.vector_load %arg11[%swap3A] {strides = array<i32>} : memref<128xi32, #tpu.memory_space<vmem>>, vector<16xi32>,
    %swap3A_38 = vector.shape_cast %swap3A_37 : vector<16xi32> to vector<16xi32>
    %swap3A_39 = vector.shape_cast %add3A_36 : vector<16xi32> to vector<16xi32>
    tpu.vector_store %arg11[%swap3A], %swap3A_39 {strides = array<i32>} : memref<128xi32, #tpu.memory_space<vmem>>, vector<16xi32>,
    %get3A_40 = arith.constant 16 : index
    %get3A_41 = tpu.vector_load %arg9[%get3A_40] {strides = array<i32>} : memref<128xi32, #tpu.memory_space<vmem>>, vector<16xi32>,
    %get3A_42 = vector.shape_cast %get3A_41 : vector<16xi32> to vector<16xi32>
    %eq3A_43 = arith.constant -100 : i32
    %eq3A_44 = vector.broadcast %eq3A_43 : i32 to vector<16xi32>
    %eq3A_45 = arith.cmpi eq, %get3A_42, %eq3A_44 : vector<16xi32>
    %jit3A_46 = arith.constant 0 : i32
    %broadcast_in_dim3A_47 = vector.broadcast %jit3A_46 : i32 to vector<16xi32>
    %select_n3A_48 = arith.select %eq3A_45, %broadcast_in_dim3A_47, %get3A_42 : vector<16xi1>, vector<16xi32>
    %add3A_49 = arith.constant 16 : i32
    %add3A_50 = arith.addi %mul3A_2, %add3A_49 : i32
    %add3A_51 = vector.broadcast %add3A_50 : i32 to vector<16xi32>
    %add3A_52 = arith.addi %add3A_51, %iota3A : vector<16xi32>
    %shift_right_logical3A_53 = arith.constant 3 : i32
    %shift_right_logical3A_54 = vector.broadcast %shift_right_logical3A_53 : i32 to vector<16xi32>
    %shift_right_logical3A_55 = arith.shrui %add3A_52, %shift_right_logical3A_54 : vector<16xi32>
    %mul3A_56 = arith.constant 65536 : i32
    %mul3A_57 = vector.broadcast %mul3A_56 : i32 to vector<16xi32>
    %mul3A_58 = arith.muli %shift_right_logical3A_55, %mul3A_57 : vector<16xi32>
    %shift_right_logical3A_59 = arith.constant 7 : i32
    %shift_right_logical3A_60 = vector.broadcast %shift_right_logical3A_59 : i32 to vector<16xi32>
    %shift_right_logical3A_61 = arith.shrui %select_n3A_48, %shift_right_logical3A_60 : vector<16xi32>
    %mul3A_62 = arith.constant 1024 : i32
    %mul3A_63 = vector.broadcast %mul3A_62 : i32 to vector<16xi32>
    %mul3A_64 = arith.muli %shift_right_logical3A_61, %mul3A_63 : vector<16xi32>
    %add3A_65 = arith.addi %mul3A_58, %mul3A_64 : vector<16xi32>
    %and3A_66 = arith.constant 7 : i32
    %and3A_67 = vector.broadcast %and3A_66 : i32 to vector<16xi32>
    %and3A_68 = arith.andi %add3A_52, %and3A_67 : vector<16xi32>
    %mul3A_69 = arith.constant 128 : i32
    %mul3A_70 = vector.broadcast %mul3A_69 : i32 to vector<16xi32>
    %mul3A_71 = arith.muli %and3A_68, %mul3A_70 : vector<16xi32>
    %add3A_72 = arith.addi %add3A_65, %mul3A_71 : vector<16xi32>
    %and3A_73 = arith.constant 127 : i32
    %and3A_74 = vector.broadcast %and3A_73 : i32 to vector<16xi32>
    %and3A_75 = arith.andi %select_n3A_48, %and3A_74 : vector<16xi32>
    %add3A_76 = arith.addi %add3A_72, %and3A_75 : vector<16xi32>
    %swap3A_77 = arith.constant 16 : index
    %swap3A_78 = tpu.vector_load %arg11[%swap3A_77] {strides = array<i32>} : memref<128xi32, #tpu.memory_space<vmem>>, vector<16xi32>,
    %swap3A_79 = vector.shape_cast %swap3A_78 : vector<16xi32> to vector<16xi32>
    %swap3A_80 = vector.shape_cast %add3A_76 : vector<16xi32> to vector<16xi32>
    tpu.vector_store %arg11[%swap3A_77], %swap3A_80 {strides = array<i32>} : memref<128xi32, #tpu.memory_space<vmem>>, vector<16xi32>,
    %get3A_81 = arith.constant 32 : index
    %get3A_82 = tpu.vector_load %arg9[%get3A_81] {strides = array<i32>} : memref<128xi32, #tpu.memory_space<vmem>>, vector<16xi32>,
    %get3A_83 = vector.shape_cast %get3A_82 : vector<16xi32> to vector<16xi32>
    %eq3A_84 = arith.constant -100 : i32
    %eq3A_85 = vector.broadcast %eq3A_84 : i32 to vector<16xi32>
    %eq3A_86 = arith.cmpi eq, %get3A_83, %eq3A_85 : vector<16xi32>
    %jit3A_87 = arith.constant 0 : i32
    %broadcast_in_dim3A_88 = vector.broadcast %jit3A_87 : i32 to vector<16xi32>
    %select_n3A_89 = arith.select %eq3A_86, %broadcast_in_dim3A_88, %get3A_83 : vector<16xi1>, vector<16xi32>
    %add3A_90 = arith.constant 32 : i32
    %add3A_91 = arith.addi %mul3A_2, %add3A_90 : i32
    %add3A_92 = vector.broadcast %add3A_91 : i32 to vector<16xi32>
    %add3A_93 = arith.addi %add3A_92, %iota3A : vector<16xi32>
    %shift_right_logical3A_94 = arith.constant 3 : i32
    %shift_right_logical3A_95 = vector.broadcast %shift_right_logical3A_94 : i32 to vector<16xi32>
    %shift_right_logical3A_96 = arith.shrui %add3A_93, %shift_right_logical3A_95 : vector<16xi32>
    %mul3A_97 = arith.constant 65536 : i32
    %mul3A_98 = vector.broadcast %mul3A_97 : i32 to vector<16xi32>
    %mul3A_99 = arith.muli %shift_right_logical3A_96, %mul3A_98 : vector<16xi32>
    %shift_right_logical3A_100 = arith.constant 7 : i32
    %shift_right_logical3A_101 = vector.broadcast %shift_right_logical3A_100 : i32 to vector<16xi32>
    %shift_right_logical3A_102 = arith.shrui %select_n3A_89, %shift_right_logical3A_101 : vector<16xi32>
    %mul3A_103 = arith.constant 1024 : i32
    %mul3A_104 = vector.broadcast %mul3A_103 : i32 to vector<16xi32>
    %mul3A_105 = arith.muli %shift_right_logical3A_102, %mul3A_104 : vector<16xi32>
    %add3A_106 = arith.addi %mul3A_99, %mul3A_105 : vector<16xi32>
    %and3A_107 = arith.constant 7 : i32
    %and3A_108 = vector.broadcast %and3A_107 : i32 to vector<16xi32>
    %and3A_109 = arith.andi %add3A_93, %and3A_108 : vector<16xi32>
    %mul3A_110 = arith.constant 128 : i32
    %mul3A_111 = vector.broadcast %mul3A_110 : i32 to vector<16xi32>
    %mul3A_112 = arith.muli %and3A_109, %mul3A_111 : vector<16xi32>
    %add3A_113 = arith.addi %add3A_106, %mul3A_112 : vector<16xi32>
    %and3A_114 = arith.constant 127 : i32
    %and3A_115 = vector.broadcast %and3A_114 : i32 to vector<16xi32>
    %and3A_116 = arith.andi %select_n3A_89, %and3A_115 : vector<16xi32>
    %add3A_117 = arith.addi %add3A_113, %and3A_116 : vector<16xi32>
    %swap3A_118 = arith.constant 32 : index
    %swap3A_119 = tpu.vector_load %arg11[%swap3A_118] {strides = array<i32>} : memref<128xi32, #tpu.memory_space<vmem>>, vector<16xi32>,
    %swap3A_120 = vector.shape_cast %swap3A_119 : vector<16xi32> to vector<16xi32>
    %swap3A_121 = vector.shape_cast %add3A_117 : vector<16xi32> to vector<16xi32>
    tpu.vector_store %arg11[%swap3A_118], %swap3A_121 {strides = array<i32>} : memref<128xi32, #tpu.memory_space<vmem>>, vector<16xi32>,
    %get3A_122 = arith.constant 48 : index
    %get3A_123 = tpu.vector_load %arg9[%get3A_122] {strides = array<i32>} : memref<128xi32, #tpu.memory_space<vmem>>, vector<16xi32>,
    %get3A_124 = vector.shape_cast %get3A_123 : vector<16xi32> to vector<16xi32>
    %eq3A_125 = arith.constant -100 : i32
    %eq3A_126 = vector.broadcast %eq3A_125 : i32 to vector<16xi32>
    %eq3A_127 = arith.cmpi eq, %get3A_124, %eq3A_126 : vector<16xi32>
    %jit3A_128 = arith.constant 0 : i32
    %broadcast_in_dim3A_129 = vector.broadcast %jit3A_128 : i32 to vector<16xi32>
    %select_n3A_130 = arith.select %eq3A_127, %broadcast_in_dim3A_129, %get3A_124 : vector<16xi1>, vector<16xi32>
    %add3A_131 = arith.constant 48 : i32
    %add3A_132 = arith.addi %mul3A_2, %add3A_131 : i32
    %add3A_133 = vector.broadcast %add3A_132 : i32 to vector<16xi32>
    %add3A_134 = arith.addi %add3A_133, %iota3A : vector<16xi32>
    %shift_right_logical3A_135 = arith.constant 3 : i32
    %shift_right_logical3A_136 = vector.broadcast %shift_right_logical3A_135 : i32 to vector<16xi32>
    %shift_right_logical3A_137 = arith.shrui %add3A_134, %shift_right_logical3A_136 : vector<16xi32>
    %mul3A_138 = arith.constant 65536 : i32
    %mul3A_139 = vector.broadcast %mul3A_138 : i32 to vector<16xi32>
    %mul3A_140 = arith.muli %shift_right_logical3A_137, %mul3A_139 : vector<16xi32>
    %shift_right_logical3A_141 = arith.constant 7 : i32
    %shift_right_logical3A_142 = vector.broadcast %shift_right_logical3A_141 : i32 to vector<16xi32>
    %shift_right_logical3A_143 = arith.shrui %select_n3A_130, %shift_right_logical3A_142 : vector<16xi32>
    %mul3A_144 = arith.constant 1024 : i32
    %mul3A_145 = vector.broadcast %mul3A_144 : i32 to vector<16xi32>
    %mul3A_146 = arith.muli %shift_right_logical3A_143, %mul3A_145 : vector<16xi32>
    %add3A_147 = arith.addi %mul3A_140, %mul3A_146 : vector<16xi32>
    %and3A_148 = arith.constant 7 : i32
    %and3A_149 = vector.broadcast %and3A_148 : i32 to vector<16xi32>
    %and3A_150 = arith.andi %add3A_134, %and3A_149 : vector<16xi32>
    %mul3A_151 = arith.constant 128 : i32
    %mul3A_152 = vector.broadcast %mul3A_151 : i32 to vector<16xi32>
    %mul3A_153 = arith.muli %and3A_150, %mul3A_152 : vector<16xi32>
    %add3A_154 = arith.addi %add3A_147, %mul3A_153 : vector<16xi32>
    %and3A_155 = arith.constant 127 : i32
    %and3A_156 = vector.broadcast %and3A_155 : i32 to vector<16xi32>
    %and3A_157 = arith.andi %select_n3A_130, %and3A_156 : vector<16xi32>
    %add3A_158 = arith.addi %add3A_154, %and3A_157 : vector<16xi32>
    %swap3A_159 = arith.constant 48 : index
    %swap3A_160 = tpu.vector_load %arg11[%swap3A_159] {strides = array<i32>} : memref<128xi32, #tpu.memory_space<vmem>>, vector<16xi32>,
    %swap3A_161 = vector.shape_cast %swap3A_160 : vector<16xi32> to vector<16xi32>
    %swap3A_162 = vector.shape_cast %add3A_158 : vector<16xi32> to vector<16xi32>
    tpu.vector_store %arg11[%swap3A_159], %swap3A_162 {strides = array<i32>} : memref<128xi32, #tpu.memory_space<vmem>>, vector<16xi32>,
    %get3A_163 = arith.constant 64 : index
    %get3A_164 = tpu.vector_load %arg9[%get3A_163] {strides = array<i32>} : memref<128xi32, #tpu.memory_space<vmem>>, vector<16xi32>,
    %get3A_165 = vector.shape_cast %get3A_164 : vector<16xi32> to vector<16xi32>
    %eq3A_166 = arith.constant -100 : i32
    %eq3A_167 = vector.broadcast %eq3A_166 : i32 to vector<16xi32>
    %eq3A_168 = arith.cmpi eq, %get3A_165, %eq3A_167 : vector<16xi32>
    %jit3A_169 = arith.constant 0 : i32
    %broadcast_in_dim3A_170 = vector.broadcast %jit3A_169 : i32 to vector<16xi32>
    %select_n3A_171 = arith.select %eq3A_168, %broadcast_in_dim3A_170, %get3A_165 : vector<16xi1>, vector<16xi32>
    %add3A_172 = arith.constant 64 : i32
    %add3A_173 = arith.addi %mul3A_2, %add3A_172 : i32
    %add3A_174 = vector.broadcast %add3A_173 : i32 to vector<16xi32>
    %add3A_175 = arith.addi %add3A_174, %iota3A : vector<16xi32>
    %shift_right_logical3A_176 = arith.constant 3 : i32
    %shift_right_logical3A_177 = vector.broadcast %shift_right_logical3A_176 : i32 to vector<16xi32>
    %shift_right_logical3A_178 = arith.shrui %add3A_175, %shift_right_logical3A_177 : vector<16xi32>
    %mul3A_179 = arith.constant 65536 : i32
    %mul3A_180 = vector.broadcast %mul3A_179 : i32 to vector<16xi32>
    %mul3A_181 = arith.muli %shift_right_logical3A_178, %mul3A_180 : vector<16xi32>
    %shift_right_logical3A_182 = arith.constant 7 : i32
    %shift_right_logical3A_183 = vector.broadcast %shift_right_logical3A_182 : i32 to vector<16xi32>
    %shift_right_logical3A_184 = arith.shrui %select_n3A_171, %shift_right_logical3A_183 : vector<16xi32>
    %mul3A_185 = arith.constant 1024 : i32
    %mul3A_186 = vector.broadcast %mul3A_185 : i32 to vector<16xi32>
    %mul3A_187 = arith.muli %shift_right_logical3A_184, %mul3A_186 : vector<16xi32>
    %add3A_188 = arith.addi %mul3A_181, %mul3A_187 : vector<16xi32>
    %and3A_189 = arith.constant 7 : i32
    %and3A_190 = vector.broadcast %and3A_189 : i32 to vector<16xi32>
    %and3A_191 = arith.andi %add3A_175, %and3A_190 : vector<16xi32>
    %mul3A_192 = arith.constant 128 : i32
    %mul3A_193 = vector.broadcast %mul3A_192 : i32 to vector<16xi32>
    %mul3A_194 = arith.muli %and3A_191, %mul3A_193 : vector<16xi32>
    %add3A_195 = arith.addi %add3A_188, %mul3A_194 : vector<16xi32>
    %and3A_196 = arith.constant 127 : i32
    %and3A_197 = vector.broadcast %and3A_196 : i32 to vector<16xi32>
    %and3A_198 = arith.andi %select_n3A_171, %and3A_197 : vector<16xi32>
    %add3A_199 = arith.addi %add3A_195, %and3A_198 : vector<16xi32>
    %swap3A_200 = arith.constant 64 : index
    %swap3A_201 = tpu.vector_load %arg11[%swap3A_200] {strides = array<i32>} : memref<128xi32, #tpu.memory_space<vmem>>, vector<16xi32>,
    %swap3A_202 = vector.shape_cast %swap3A_201 : vector<16xi32> to vector<16xi32>
    %swap3A_203 = vector.shape_cast %add3A_199 : vector<16xi32> to vector<16xi32>
    tpu.vector_store %arg11[%swap3A_200], %swap3A_203 {strides = array<i32>} : memref<128xi32, #tpu.memory_space<vmem>>, vector<16xi32>,
    %get3A_204 = arith.constant 80 : index
    %get3A_205 = tpu.vector_load %arg9[%get3A_204] {strides = array<i32>} : memref<128xi32, #tpu.memory_space<vmem>>, vector<16xi32>,
    %get3A_206 = vector.shape_cast %get3A_205 : vector<16xi32> to vector<16xi32>
    %eq3A_207 = arith.constant -100 : i32
    %eq3A_208 = vector.broadcast %eq3A_207 : i32 to vector<16xi32>
    %eq3A_209 = arith.cmpi eq, %get3A_206, %eq3A_208 : vector<16xi32>
    %jit3A_210 = arith.constant 0 : i32
    %broadcast_in_dim3A_211 = vector.broadcast %jit3A_210 : i32 to vector<16xi32>
    %select_n3A_212 = arith.select %eq3A_209, %broadcast_in_dim3A_211, %get3A_206 : vector<16xi1>, vector<16xi32>
    %add3A_213 = arith.constant 80 : i32
    %add3A_214 = arith.addi %mul3A_2, %add3A_213 : i32
    %add3A_215 = vector.broadcast %add3A_214 : i32 to vector<16xi32>
    %add3A_216 = arith.addi %add3A_215, %iota3A : vector<16xi32>
    %shift_right_logical3A_217 = arith.constant 3 : i32
    %shift_right_logical3A_218 = vector.broadcast %shift_right_logical3A_217 : i32 to vector<16xi32>
    %shift_right_logical3A_219 = arith.shrui %add3A_216, %shift_right_logical3A_218 : vector<16xi32>
    %mul3A_220 = arith.constant 65536 : i32
    %mul3A_221 = vector.broadcast %mul3A_220 : i32 to vector<16xi32>
    %mul3A_222 = arith.muli %shift_right_logical3A_219, %mul3A_221 : vector<16xi32>
    %shift_right_logical3A_223 = arith.constant 7 : i32
    %shift_right_logical3A_224 = vector.broadcast %shift_right_logical3A_223 : i32 to vector<16xi32>
    %shift_right_logical3A_225 = arith.shrui %select_n3A_212, %shift_right_logical3A_224 : vector<16xi32>
    %mul3A_226 = arith.constant 1024 : i32
    %mul3A_227 = vector.broadcast %mul3A_226 : i32 to vector<16xi32>
    %mul3A_228 = arith.muli %shift_right_logical3A_225, %mul3A_227 : vector<16xi32>
    %add3A_229 = arith.addi %mul3A_222, %mul3A_228 : vector<16xi32>
    %and3A_230 = arith.constant 7 : i32
    %and3A_231 = vector.broadcast %and3A_230 : i32 to vector<16xi32>
    %and3A_232 = arith.andi %add3A_216, %and3A_231 : vector<16xi32>
    %mul3A_233 = arith.constant 128 : i32
    %mul3A_234 = vector.broadcast %mul3A_233 : i32 to vector<16xi32>
    %mul3A_235 = arith.muli %and3A_232, %mul3A_234 : vector<16xi32>
    %add3A_236 = arith.addi %add3A_229, %mul3A_235 : vector<16xi32>
    %and3A_237 = arith.constant 127 : i32
    %and3A_238 = vector.broadcast %and3A_237 : i32 to vector<16xi32>
    %and3A_239 = arith.andi %select_n3A_212, %and3A_238 : vector<16xi32>
    %add3A_240 = arith.addi %add3A_236, %and3A_239 : vector<16xi32>
    %swap3A_241 = arith.constant 80 : index
    %swap3A_242 = tpu.vector_load %arg11[%swap3A_241] {strides = array<i32>} : memref<128xi32, #tpu.memory_space<vmem>>, vector<16xi32>,
    %swap3A_243 = vector.shape_cast %swap3A_242 : vector<16xi32> to vector<16xi32>
    %swap3A_244 = vector.shape_cast %add3A_240 : vector<16xi32> to vector<16xi32>
    tpu.vector_store %arg11[%swap3A_241], %swap3A_244 {strides = array<i32>} : memref<128xi32, #tpu.memory_space<vmem>>, vector<16xi32>,
    %get3A_245 = arith.constant 96 : index
    %get3A_246 = tpu.vector_load %arg9[%get3A_245] {strides = array<i32>} : memref<128xi32, #tpu.memory_space<vmem>>, vector<16xi32>,
    %get3A_247 = vector.shape_cast %get3A_246 : vector<16xi32> to vector<16xi32>
    %eq3A_248 = arith.constant -100 : i32
    %eq3A_249 = vector.broadcast %eq3A_248 : i32 to vector<16xi32>
    %eq3A_250 = arith.cmpi eq, %get3A_247, %eq3A_249 : vector<16xi32>
    %jit3A_251 = arith.constant 0 : i32
    %broadcast_in_dim3A_252 = vector.broadcast %jit3A_251 : i32 to vector<16xi32>
    %select_n3A_253 = arith.select %eq3A_250, %broadcast_in_dim3A_252, %get3A_247 : vector<16xi1>, vector<16xi32>
    %add3A_254 = arith.constant 96 : i32
    %add3A_255 = arith.addi %mul3A_2, %add3A_254 : i32
    %add3A_256 = vector.broadcast %add3A_255 : i32 to vector<16xi32>
    %add3A_257 = arith.addi %add3A_256, %iota3A : vector<16xi32>
    %shift_right_logical3A_258 = arith.constant 3 : i32
    %shift_right_logical3A_259 = vector.broadcast %shift_right_logical3A_258 : i32 to vector<16xi32>
    %shift_right_logical3A_260 = arith.shrui %add3A_257, %shift_right_logical3A_259 : vector<16xi32>
    %mul3A_261 = arith.constant 65536 : i32
    %mul3A_262 = vector.broadcast %mul3A_261 : i32 to vector<16xi32>
    %mul3A_263 = arith.muli %shift_right_logical3A_260, %mul3A_262 : vector<16xi32>
    %shift_right_logical3A_264 = arith.constant 7 : i32
    %shift_right_logical3A_265 = vector.broadcast %shift_right_logical3A_264 : i32 to vector<16xi32>
    %shift_right_logical3A_266 = arith.shrui %select_n3A_253, %shift_right_logical3A_265 : vector<16xi32>
    %mul3A_267 = arith.constant 1024 : i32
    %mul3A_268 = vector.broadcast %mul3A_267 : i32 to vector<16xi32>
    %mul3A_269 = arith.muli %shift_right_logical3A_266, %mul3A_268 : vector<16xi32>
    %add3A_270 = arith.addi %mul3A_263, %mul3A_269 : vector<16xi32>
    %and3A_271 = arith.constant 7 : i32
    %and3A_272 = vector.broadcast %and3A_271 : i32 to vector<16xi32>
    %and3A_273 = arith.andi %add3A_257, %and3A_272 : vector<16xi32>
    %mul3A_274 = arith.constant 128 : i32
    %mul3A_275 = vector.broadcast %mul3A_274 : i32 to vector<16xi32>
    %mul3A_276 = arith.muli %and3A_273, %mul3A_275 : vector<16xi32>
    %add3A_277 = arith.addi %add3A_270, %mul3A_276 : vector<16xi32>
    %and3A_278 = arith.constant 127 : i32
    %and3A_279 = vector.broadcast %and3A_278 : i32 to vector<16xi32>
    %and3A_280 = arith.andi %select_n3A_253, %and3A_279 : vector<16xi32>
    %add3A_281 = arith.addi %add3A_277, %and3A_280 : vector<16xi32>
    %swap3A_282 = arith.constant 96 : index
    %swap3A_283 = tpu.vector_load %arg11[%swap3A_282] {strides = array<i32>} : memref<128xi32, #tpu.memory_space<vmem>>, vector<16xi32>,
    %swap3A_284 = vector.shape_cast %swap3A_283 : vector<16xi32> to vector<16xi32>
    %swap3A_285 = vector.shape_cast %add3A_281 : vector<16xi32> to vector<16xi32>
    tpu.vector_store %arg11[%swap3A_282], %swap3A_285 {strides = array<i32>} : memref<128xi32, #tpu.memory_space<vmem>>, vector<16xi32>,
    %get3A_286 = arith.constant 112 : index
    %get3A_287 = tpu.vector_load %arg9[%get3A_286] {strides = array<i32>} : memref<128xi32, #tpu.memory_space<vmem>>, vector<16xi32>,
    %get3A_288 = vector.shape_cast %get3A_287 : vector<16xi32> to vector<16xi32>
    %eq3A_289 = arith.constant -100 : i32
    %eq3A_290 = vector.broadcast %eq3A_289 : i32 to vector<16xi32>
    %eq3A_291 = arith.cmpi eq, %get3A_288, %eq3A_290 : vector<16xi32>
    %jit3A_292 = arith.constant 0 : i32
    %broadcast_in_dim3A_293 = vector.broadcast %jit3A_292 : i32 to vector<16xi32>
    %select_n3A_294 = arith.select %eq3A_291, %broadcast_in_dim3A_293, %get3A_288 : vector<16xi1>, vector<16xi32>
    %add3A_295 = arith.constant 112 : i32
    %add3A_296 = arith.addi %mul3A_2, %add3A_295 : i32
    %add3A_297 = vector.broadcast %add3A_296 : i32 to vector<16xi32>
    %add3A_298 = arith.addi %add3A_297, %iota3A : vector<16xi32>
    %shift_right_logical3A_299 = arith.constant 3 : i32
    %shift_right_logical3A_300 = vector.broadcast %shift_right_logical3A_299 : i32 to vector<16xi32>
    %shift_right_logical3A_301 = arith.shrui %add3A_298, %shift_right_logical3A_300 : vector<16xi32>
    %mul3A_302 = arith.constant 65536 : i32
    %mul3A_303 = vector.broadcast %mul3A_302 : i32 to vector<16xi32>
    %mul3A_304 = arith.muli %shift_right_logical3A_301, %mul3A_303 : vector<16xi32>
    %shift_right_logical3A_305 = arith.constant 7 : i32
    %shift_right_logical3A_306 = vector.broadcast %shift_right_logical3A_305 : i32 to vector<16xi32>
    %shift_right_logical3A_307 = arith.shrui %select_n3A_294, %shift_right_logical3A_306 : vector<16xi32>
    %mul3A_308 = arith.constant 1024 : i32
    %mul3A_309 = vector.broadcast %mul3A_308 : i32 to vector<16xi32>
    %mul3A_310 = arith.muli %shift_right_logical3A_307, %mul3A_309 : vector<16xi32>
    %add3A_311 = arith.addi %mul3A_304, %mul3A_310 : vector<16xi32>
    %and3A_312 = arith.constant 7 : i32
    %and3A_313 = vector.broadcast %and3A_312 : i32 to vector<16xi32>
    %and3A_314 = arith.andi %add3A_298, %and3A_313 : vector<16xi32>
    %mul3A_315 = arith.constant 128 : i32
    %mul3A_316 = vector.broadcast %mul3A_315 : i32 to vector<16xi32>
    %mul3A_317 = arith.muli %and3A_314, %mul3A_316 : vector<16xi32>
    %add3A_318 = arith.addi %add3A_311, %mul3A_317 : vector<16xi32>
    %and3A_319 = arith.constant 127 : i32
    %and3A_320 = vector.broadcast %and3A_319 : i32 to vector<16xi32>
    %and3A_321 = arith.andi %select_n3A_294, %and3A_320 : vector<16xi32>
    %add3A_322 = arith.addi %add3A_318, %and3A_321 : vector<16xi32>
    %swap3A_323 = arith.constant 112 : index
    %swap3A_324 = tpu.vector_load %arg11[%swap3A_323] {strides = array<i32>} : memref<128xi32, #tpu.memory_space<vmem>>, vector<16xi32>,
    %swap3A_325 = vector.shape_cast %swap3A_324 : vector<16xi32> to vector<16xi32>
    %swap3A_326 = vector.shape_cast %add3A_322 : vector<16xi32> to vector<16xi32>
    tpu.vector_store %arg11[%swap3A_323], %swap3A_326 {strides = array<i32>} : memref<128xi32, #tpu.memory_space<vmem>>, vector<16xi32>,
    %dma_start3A_327 = arith.constant 0 : i32
    %dma_start3A_328 = tpu.memref_slice %arg2[%dma_start3A_327] : memref<33554432xf32, #tpu.memory_space<hbm>> -> memref<33554432xf32, #tpu.memory_space<hbm>>
    tpu.enqueue_indirect_dma source(%dma_start3A_328 : memref<33554432xf32, #tpu.memory_space<hbm>>) target(%arg14 : memref<128xf32, #tpu.memory_space<vmem>>) offsets(%arg11 : memref<128xi32, #tpu.memory_space<vmem>>) semaphore(%arg17 : memref<!tpu.dma_semaphore, #tpu.memory_space<semaphore_mem>>)
    %dma_wait3A_329 = tpu.memref_slice %arg6[%mul3A_2] : memref<4096xi32, #tpu.memory_space<hbm>> -> memref<128xi32, #tpu.memory_space<hbm>>
    %dma_wait3A_330 = tpu.memref_slice %arg6[%mul3A_2] : memref<4096xi32, #tpu.memory_space<hbm>> -> memref<128xi32, #tpu.memory_space<hbm>>
    tpu.wait_dma2 semaphore(%arg21 : memref<!tpu.dma_semaphore, #tpu.memory_space<semaphore_mem>>) src(%dma_wait3A_330 : memref<128xi32, #tpu.memory_space<hbm>>) dst(%arg10 : memref<128xi32, #tpu.memory_space<vmem>>)
    %get3A_331 = arith.constant 0 : index
    %get3A_332 = tpu.vector_load %arg9[%get3A_331] {strides = array<i32>} : memref<128xi32, #tpu.memory_space<vmem>>, vector<16xi32>,
    %get3A_333 = vector.shape_cast %get3A_332 : vector<16xi32> to vector<16xi32>
    %get3A_334 = arith.constant 0 : index
    %get3A_335 = tpu.vector_load %arg10[%get3A_334] {strides = array<i32>} : memref<128xi32, #tpu.memory_space<vmem>>, vector<16xi32>,
    %get3A_336 = vector.shape_cast %get3A_335 : vector<16xi32> to vector<16xi32>
    %eq3A_337 = arith.constant -100 : i32
    %eq3A_338 = vector.broadcast %eq3A_337 : i32 to vector<16xi32>
    %eq3A_339 = arith.cmpi eq, %get3A_333, %eq3A_338 : vector<16xi32>
    %jit3A_340 = arith.constant 0 : i32
    %broadcast_in_dim3A_341 = vector.broadcast %jit3A_340 : i32 to vector<16xi32>
    %select_n3A_342 = arith.select %eq3A_339, %broadcast_in_dim3A_341, %get3A_333 : vector<16xi1>, vector<16xi32>
    %eq3A_343 = arith.constant -100 : i32
    %eq3A_344 = vector.broadcast %eq3A_343 : i32 to vector<16xi32>
    %eq3A_345 = arith.cmpi eq, %get3A_336, %eq3A_344 : vector<16xi32>
    %jit3A_346 = arith.constant 0 : i32
    %broadcast_in_dim3A_347 = vector.broadcast %jit3A_346 : i32 to vector<16xi32>
    %select_n3A_348 = arith.select %eq3A_345, %broadcast_in_dim3A_347, %get3A_336 : vector<16xi1>, vector<16xi32>
    %shift_right_logical3A_349 = arith.constant 3 : i32
    %shift_right_logical3A_350 = vector.broadcast %shift_right_logical3A_349 : i32 to vector<16xi32>
    %shift_right_logical3A_351 = arith.shrui %select_n3A_342, %shift_right_logical3A_350 : vector<16xi32>
    %mul3A_352 = arith.constant 65536 : i32
    %mul3A_353 = vector.broadcast %mul3A_352 : i32 to vector<16xi32>
    %mul3A_354 = arith.muli %shift_right_logical3A_351, %mul3A_353 : vector<16xi32>
    %shift_right_logical3A_355 = arith.constant 7 : i32
    %shift_right_logical3A_356 = vector.broadcast %shift_right_logical3A_355 : i32 to vector<16xi32>
    %shift_right_logical3A_357 = arith.shrui %select_n3A_348, %shift_right_logical3A_356 : vector<16xi32>
    %mul3A_358 = arith.constant 1024 : i32
    %mul3A_359 = vector.broadcast %mul3A_358 : i32 to vector<16xi32>
    %mul3A_360 = arith.muli %shift_right_logical3A_357, %mul3A_359 : vector<16xi32>
    %add3A_361 = arith.addi %mul3A_354, %mul3A_360 : vector<16xi32>
    %and3A_362 = arith.constant 7 : i32
    %and3A_363 = vector.broadcast %and3A_362 : i32 to vector<16xi32>
    %and3A_364 = arith.andi %select_n3A_342, %and3A_363 : vector<16xi32>
    %mul3A_365 = arith.constant 128 : i32
    %mul3A_366 = vector.broadcast %mul3A_365 : i32 to vector<16xi32>
    %mul3A_367 = arith.muli %and3A_364, %mul3A_366 : vector<16xi32>
    %add3A_368 = arith.addi %add3A_361, %mul3A_367 : vector<16xi32>
    %and3A_369 = arith.constant 127 : i32
    %and3A_370 = vector.broadcast %and3A_369 : i32 to vector<16xi32>
    %and3A_371 = arith.andi %select_n3A_348, %and3A_370 : vector<16xi32>
    %add3A_372 = arith.addi %add3A_368, %and3A_371 : vector<16xi32>
    %swap3A_373 = arith.constant 0 : index
    %swap3A_374 = tpu.vector_load %arg13[%swap3A_373] {strides = array<i32>} : memref<128xi32, #tpu.memory_space<vmem>>, vector<16xi32>,
    %swap3A_375 = vector.shape_cast %swap3A_374 : vector<16xi32> to vector<16xi32>
    %swap3A_376 = vector.shape_cast %add3A_372 : vector<16xi32> to vector<16xi32>
    tpu.vector_store %arg13[%swap3A_373], %swap3A_376 {strides = array<i32>} : memref<128xi32, #tpu.memory_space<vmem>>, vector<16xi32>,
    %get3A_377 = arith.constant 16 : index
    %get3A_378 = tpu.vector_load %arg9[%get3A_377] {strides = array<i32>} : memref<128xi32, #tpu.memory_space<vmem>>, vector<16xi32>,
    %get3A_379 = vector.shape_cast %get3A_378 : vector<16xi32> to vector<16xi32>
    %get3A_380 = arith.constant 16 : index
    %get3A_381 = tpu.vector_load %arg10[%get3A_380] {strides = array<i32>} : memref<128xi32, #tpu.memory_space<vmem>>, vector<16xi32>,
    %get3A_382 = vector.shape_cast %get3A_381 : vector<16xi32> to vector<16xi32>
    %eq3A_383 = arith.constant -100 : i32
    %eq3A_384 = vector.broadcast %eq3A_383 : i32 to vector<16xi32>
    %eq3A_385 = arith.cmpi eq, %get3A_379, %eq3A_384 : vector<16xi32>
    %jit3A_386 = arith.constant 0 : i32
    %broadcast_in_dim3A_387 = vector.broadcast %jit3A_386 : i32 to vector<16xi32>
    %select_n3A_388 = arith.select %eq3A_385, %broadcast_in_dim3A_387, %get3A_379 : vector<16xi1>, vector<16xi32>
    %eq3A_389 = arith.constant -100 : i32
    %eq3A_390 = vector.broadcast %eq3A_389 : i32 to vector<16xi32>
    %eq3A_391 = arith.cmpi eq, %get3A_382, %eq3A_390 : vector<16xi32>
    %jit3A_392 = arith.constant 0 : i32
    %broadcast_in_dim3A_393 = vector.broadcast %jit3A_392 : i32 to vector<16xi32>
    %select_n3A_394 = arith.select %eq3A_391, %broadcast_in_dim3A_393, %get3A_382 : vector<16xi1>, vector<16xi32>
    %shift_right_logical3A_395 = arith.constant 3 : i32
    %shift_right_logical3A_396 = vector.broadcast %shift_right_logical3A_395 : i32 to vector<16xi32>
    %shift_right_logical3A_397 = arith.shrui %select_n3A_388, %shift_right_logical3A_396 : vector<16xi32>
    %mul3A_398 = arith.constant 65536 : i32
    %mul3A_399 = vector.broadcast %mul3A_398 : i32 to vector<16xi32>
    %mul3A_400 = arith.muli %shift_right_logical3A_397, %mul3A_399 : vector<16xi32>
    %shift_right_logical3A_401 = arith.constant 7 : i32
    %shift_right_logical3A_402 = vector.broadcast %shift_right_logical3A_401 : i32 to vector<16xi32>
    %shift_right_logical3A_403 = arith.shrui %select_n3A_394, %shift_right_logical3A_402 : vector<16xi32>
    %mul3A_404 = arith.constant 1024 : i32
    %mul3A_405 = vector.broadcast %mul3A_404 : i32 to vector<16xi32>
    %mul3A_406 = arith.muli %shift_right_logical3A_403, %mul3A_405 : vector<16xi32>
    %add3A_407 = arith.addi %mul3A_400, %mul3A_406 : vector<16xi32>
    %and3A_408 = arith.constant 7 : i32
    %and3A_409 = vector.broadcast %and3A_408 : i32 to vector<16xi32>
    %and3A_410 = arith.andi %select_n3A_388, %and3A_409 : vector<16xi32>
    %mul3A_411 = arith.constant 128 : i32
    %mul3A_412 = vector.broadcast %mul3A_411 : i32 to vector<16xi32>
    %mul3A_413 = arith.muli %and3A_410, %mul3A_412 : vector<16xi32>
    %add3A_414 = arith.addi %add3A_407, %mul3A_413 : vector<16xi32>
    %and3A_415 = arith.constant 127 : i32
    %and3A_416 = vector.broadcast %and3A_415 : i32 to vector<16xi32>
    %and3A_417 = arith.andi %select_n3A_394, %and3A_416 : vector<16xi32>
    %add3A_418 = arith.addi %add3A_414, %and3A_417 : vector<16xi32>
    %swap3A_419 = arith.constant 16 : index
    %swap3A_420 = tpu.vector_load %arg13[%swap3A_419] {strides = array<i32>} : memref<128xi32, #tpu.memory_space<vmem>>, vector<16xi32>,
    %swap3A_421 = vector.shape_cast %swap3A_420 : vector<16xi32> to vector<16xi32>
    %swap3A_422 = vector.shape_cast %add3A_418 : vector<16xi32> to vector<16xi32>
    tpu.vector_store %arg13[%swap3A_419], %swap3A_422 {strides = array<i32>} : memref<128xi32, #tpu.memory_space<vmem>>, vector<16xi32>,
    %get3A_423 = arith.constant 32 : index
    %get3A_424 = tpu.vector_load %arg9[%get3A_423] {strides = array<i32>} : memref<128xi32, #tpu.memory_space<vmem>>, vector<16xi32>,
    %get3A_425 = vector.shape_cast %get3A_424 : vector<16xi32> to vector<16xi32>
    %get3A_426 = arith.constant 32 : index
    %get3A_427 = tpu.vector_load %arg10[%get3A_426] {strides = array<i32>} : memref<128xi32, #tpu.memory_space<vmem>>, vector<16xi32>,
    %get3A_428 = vector.shape_cast %get3A_427 : vector<16xi32> to vector<16xi32>
    %eq3A_429 = arith.constant -100 : i32
    %eq3A_430 = vector.broadcast %eq3A_429 : i32 to vector<16xi32>
    %eq3A_431 = arith.cmpi eq, %get3A_425, %eq3A_430 : vector<16xi32>
    %jit3A_432 = arith.constant 0 : i32
    %broadcast_in_dim3A_433 = vector.broadcast %jit3A_432 : i32 to vector<16xi32>
    %select_n3A_434 = arith.select %eq3A_431, %broadcast_in_dim3A_433, %get3A_425 : vector<16xi1>, vector<16xi32>
    %eq3A_435 = arith.constant -100 : i32
    %eq3A_436 = vector.broadcast %eq3A_435 : i32 to vector<16xi32>
    %eq3A_437 = arith.cmpi eq, %get3A_428, %eq3A_436 : vector<16xi32>
    %jit3A_438 = arith.constant 0 : i32
    %broadcast_in_dim3A_439 = vector.broadcast %jit3A_438 : i32 to vector<16xi32>
    %select_n3A_440 = arith.select %eq3A_437, %broadcast_in_dim3A_439, %get3A_428 : vector<16xi1>, vector<16xi32>
    %shift_right_logical3A_441 = arith.constant 3 : i32
    %shift_right_logical3A_442 = vector.broadcast %shift_right_logical3A_441 : i32 to vector<16xi32>
    %shift_right_logical3A_443 = arith.shrui %select_n3A_434, %shift_right_logical3A_442 : vector<16xi32>
    %mul3A_444 = arith.constant 65536 : i32
    %mul3A_445 = vector.broadcast %mul3A_444 : i32 to vector<16xi32>
    %mul3A_446 = arith.muli %shift_right_logical3A_443, %mul3A_445 : vector<16xi32>
    %shift_right_logical3A_447 = arith.constant 7 : i32
    %shift_right_logical3A_448 = vector.broadcast %shift_right_logical3A_447 : i32 to vector<16xi32>
    %shift_right_logical3A_449 = arith.shrui %select_n3A_440, %shift_right_logical3A_448 : vector<16xi32>
    %mul3A_450 = arith.constant 1024 : i32
    %mul3A_451 = vector.broadcast %mul3A_450 : i32 to vector<16xi32>
    %mul3A_452 = arith.muli %shift_right_logical3A_449, %mul3A_451 : vector<16xi32>
    %add3A_453 = arith.addi %mul3A_446, %mul3A_452 : vector<16xi32>
    %and3A_454 = arith.constant 7 : i32
    %and3A_455 = vector.broadcast %and3A_454 : i32 to vector<16xi32>
    %and3A_456 = arith.andi %select_n3A_434, %and3A_455 : vector<16xi32>
    %mul3A_457 = arith.constant 128 : i32
    %mul3A_458 = vector.broadcast %mul3A_457 : i32 to vector<16xi32>
    %mul3A_459 = arith.muli %and3A_456, %mul3A_458 : vector<16xi32>
    %add3A_460 = arith.addi %add3A_453, %mul3A_459 : vector<16xi32>
    %and3A_461 = arith.constant 127 : i32
    %and3A_462 = vector.broadcast %and3A_461 : i32 to vector<16xi32>
    %and3A_463 = arith.andi %select_n3A_440, %and3A_462 : vector<16xi32>
    %add3A_464 = arith.addi %add3A_460, %and3A_463 : vector<16xi32>
    %swap3A_465 = arith.constant 32 : index
    %swap3A_466 = tpu.vector_load %arg13[%swap3A_465] {strides = array<i32>} : memref<128xi32, #tpu.memory_space<vmem>>, vector<16xi32>,
    %swap3A_467 = vector.shape_cast %swap3A_466 : vector<16xi32> to vector<16xi32>
    %swap3A_468 = vector.shape_cast %add3A_464 : vector<16xi32> to vector<16xi32>
    tpu.vector_store %arg13[%swap3A_465], %swap3A_468 {strides = array<i32>} : memref<128xi32, #tpu.memory_space<vmem>>, vector<16xi32>,
    %get3A_469 = arith.constant 48 : index
    %get3A_470 = tpu.vector_load %arg9[%get3A_469] {strides = array<i32>} : memref<128xi32, #tpu.memory_space<vmem>>, vector<16xi32>,
    %get3A_471 = vector.shape_cast %get3A_470 : vector<16xi32> to vector<16xi32>
    %get3A_472 = arith.constant 48 : index
    %get3A_473 = tpu.vector_load %arg10[%get3A_472] {strides = array<i32>} : memref<128xi32, #tpu.memory_space<vmem>>, vector<16xi32>,
    %get3A_474 = vector.shape_cast %get3A_473 : vector<16xi32> to vector<16xi32>
    %eq3A_475 = arith.constant -100 : i32
    %eq3A_476 = vector.broadcast %eq3A_475 : i32 to vector<16xi32>
    %eq3A_477 = arith.cmpi eq, %get3A_471, %eq3A_476 : vector<16xi32>
    %jit3A_478 = arith.constant 0 : i32
    %broadcast_in_dim3A_479 = vector.broadcast %jit3A_478 : i32 to vector<16xi32>
    %select_n3A_480 = arith.select %eq3A_477, %broadcast_in_dim3A_479, %get3A_471 : vector<16xi1>, vector<16xi32>
    %eq3A_481 = arith.constant -100 : i32
    %eq3A_482 = vector.broadcast %eq3A_481 : i32 to vector<16xi32>
    %eq3A_483 = arith.cmpi eq, %get3A_474, %eq3A_482 : vector<16xi32>
    %jit3A_484 = arith.constant 0 : i32
    %broadcast_in_dim3A_485 = vector.broadcast %jit3A_484 : i32 to vector<16xi32>
    %select_n3A_486 = arith.select %eq3A_483, %broadcast_in_dim3A_485, %get3A_474 : vector<16xi1>, vector<16xi32>
    %shift_right_logical3A_487 = arith.constant 3 : i32
    %shift_right_logical3A_488 = vector.broadcast %shift_right_logical3A_487 : i32 to vector<16xi32>
    %shift_right_logical3A_489 = arith.shrui %select_n3A_480, %shift_right_logical3A_488 : vector<16xi32>
    %mul3A_490 = arith.constant 65536 : i32
    %mul3A_491 = vector.broadcast %mul3A_490 : i32 to vector<16xi32>
    %mul3A_492 = arith.muli %shift_right_logical3A_489, %mul3A_491 : vector<16xi32>
    %shift_right_logical3A_493 = arith.constant 7 : i32
    %shift_right_logical3A_494 = vector.broadcast %shift_right_logical3A_493 : i32 to vector<16xi32>
    %shift_right_logical3A_495 = arith.shrui %select_n3A_486, %shift_right_logical3A_494 : vector<16xi32>
    %mul3A_496 = arith.constant 1024 : i32
    %mul3A_497 = vector.broadcast %mul3A_496 : i32 to vector<16xi32>
    %mul3A_498 = arith.muli %shift_right_logical3A_495, %mul3A_497 : vector<16xi32>
    %add3A_499 = arith.addi %mul3A_492, %mul3A_498 : vector<16xi32>
    %and3A_500 = arith.constant 7 : i32
    %and3A_501 = vector.broadcast %and3A_500 : i32 to vector<16xi32>
    %and3A_502 = arith.andi %select_n3A_480, %and3A_501 : vector<16xi32>
    %mul3A_503 = arith.constant 128 : i32
    %mul3A_504 = vector.broadcast %mul3A_503 : i32 to vector<16xi32>
    %mul3A_505 = arith.muli %and3A_502, %mul3A_504 : vector<16xi32>
    %add3A_506 = arith.addi %add3A_499, %mul3A_505 : vector<16xi32>
    %and3A_507 = arith.constant 127 : i32
    %and3A_508 = vector.broadcast %and3A_507 : i32 to vector<16xi32>
    %and3A_509 = arith.andi %select_n3A_486, %and3A_508 : vector<16xi32>
    %add3A_510 = arith.addi %add3A_506, %and3A_509 : vector<16xi32>
    %swap3A_511 = arith.constant 48 : index
    %swap3A_512 = tpu.vector_load %arg13[%swap3A_511] {strides = array<i32>} : memref<128xi32, #tpu.memory_space<vmem>>, vector<16xi32>,
    %swap3A_513 = vector.shape_cast %swap3A_512 : vector<16xi32> to vector<16xi32>
    %swap3A_514 = vector.shape_cast %add3A_510 : vector<16xi32> to vector<16xi32>
    tpu.vector_store %arg13[%swap3A_511], %swap3A_514 {strides = array<i32>} : memref<128xi32, #tpu.memory_space<vmem>>, vector<16xi32>,
    %get3A_515 = arith.constant 64 : index
    %get3A_516 = tpu.vector_load %arg9[%get3A_515] {strides = array<i32>} : memref<128xi32, #tpu.memory_space<vmem>>, vector<16xi32>,
    %get3A_517 = vector.shape_cast %get3A_516 : vector<16xi32> to vector<16xi32>
    %get3A_518 = arith.constant 64 : index
    %get3A_519 = tpu.vector_load %arg10[%get3A_518] {strides = array<i32>} : memref<128xi32, #tpu.memory_space<vmem>>, vector<16xi32>,
    %get3A_520 = vector.shape_cast %get3A_519 : vector<16xi32> to vector<16xi32>
    %eq3A_521 = arith.constant -100 : i32
    %eq3A_522 = vector.broadcast %eq3A_521 : i32 to vector<16xi32>
    %eq3A_523 = arith.cmpi eq, %get3A_517, %eq3A_522 : vector<16xi32>
    %jit3A_524 = arith.constant 0 : i32
    %broadcast_in_dim3A_525 = vector.broadcast %jit3A_524 : i32 to vector<16xi32>
    %select_n3A_526 = arith.select %eq3A_523, %broadcast_in_dim3A_525, %get3A_517 : vector<16xi1>, vector<16xi32>
    %eq3A_527 = arith.constant -100 : i32
    %eq3A_528 = vector.broadcast %eq3A_527 : i32 to vector<16xi32>
    %eq3A_529 = arith.cmpi eq, %get3A_520, %eq3A_528 : vector<16xi32>
    %jit3A_530 = arith.constant 0 : i32
    %broadcast_in_dim3A_531 = vector.broadcast %jit3A_530 : i32 to vector<16xi32>
    %select_n3A_532 = arith.select %eq3A_529, %broadcast_in_dim3A_531, %get3A_520 : vector<16xi1>, vector<16xi32>
    %shift_right_logical3A_533 = arith.constant 3 : i32
    %shift_right_logical3A_534 = vector.broadcast %shift_right_logical3A_533 : i32 to vector<16xi32>
    %shift_right_logical3A_535 = arith.shrui %select_n3A_526, %shift_right_logical3A_534 : vector<16xi32>
    %mul3A_536 = arith.constant 65536 : i32
    %mul3A_537 = vector.broadcast %mul3A_536 : i32 to vector<16xi32>
    %mul3A_538 = arith.muli %shift_right_logical3A_535, %mul3A_537 : vector<16xi32>
    %shift_right_logical3A_539 = arith.constant 7 : i32
    %shift_right_logical3A_540 = vector.broadcast %shift_right_logical3A_539 : i32 to vector<16xi32>
    %shift_right_logical3A_541 = arith.shrui %select_n3A_532, %shift_right_logical3A_540 : vector<16xi32>
    %mul3A_542 = arith.constant 1024 : i32
    %mul3A_543 = vector.broadcast %mul3A_542 : i32 to vector<16xi32>
    %mul3A_544 = arith.muli %shift_right_logical3A_541, %mul3A_543 : vector<16xi32>
    %add3A_545 = arith.addi %mul3A_538, %mul3A_544 : vector<16xi32>
    %and3A_546 = arith.constant 7 : i32
    %and3A_547 = vector.broadcast %and3A_546 : i32 to vector<16xi32>
    %and3A_548 = arith.andi %select_n3A_526, %and3A_547 : vector<16xi32>
    %mul3A_549 = arith.constant 128 : i32
    %mul3A_550 = vector.broadcast %mul3A_549 : i32 to vector<16xi32>
    %mul3A_551 = arith.muli %and3A_548, %mul3A_550 : vector<16xi32>
    %add3A_552 = arith.addi %add3A_545, %mul3A_551 : vector<16xi32>
    %and3A_553 = arith.constant 127 : i32
    %and3A_554 = vector.broadcast %and3A_553 : i32 to vector<16xi32>
    %and3A_555 = arith.andi %select_n3A_532, %and3A_554 : vector<16xi32>
    %add3A_556 = arith.addi %add3A_552, %and3A_555 : vector<16xi32>
    %swap3A_557 = arith.constant 64 : index
    %swap3A_558 = tpu.vector_load %arg13[%swap3A_557] {strides = array<i32>} : memref<128xi32, #tpu.memory_space<vmem>>, vector<16xi32>,
    %swap3A_559 = vector.shape_cast %swap3A_558 : vector<16xi32> to vector<16xi32>
    %swap3A_560 = vector.shape_cast %add3A_556 : vector<16xi32> to vector<16xi32>
    tpu.vector_store %arg13[%swap3A_557], %swap3A_560 {strides = array<i32>} : memref<128xi32, #tpu.memory_space<vmem>>, vector<16xi32>,
    %get3A_561 = arith.constant 80 : index
    %get3A_562 = tpu.vector_load %arg9[%get3A_561] {strides = array<i32>} : memref<128xi32, #tpu.memory_space<vmem>>, vector<16xi32>,
    %get3A_563 = vector.shape_cast %get3A_562 : vector<16xi32> to vector<16xi32>
    %get3A_564 = arith.constant 80 : index
    %get3A_565 = tpu.vector_load %arg10[%get3A_564] {strides = array<i32>} : memref<128xi32, #tpu.memory_space<vmem>>, vector<16xi32>,
    %get3A_566 = vector.shape_cast %get3A_565 : vector<16xi32> to vector<16xi32>
    %eq3A_567 = arith.constant -100 : i32
    %eq3A_568 = vector.broadcast %eq3A_567 : i32 to vector<16xi32>
    %eq3A_569 = arith.cmpi eq, %get3A_563, %eq3A_568 : vector<16xi32>
    %jit3A_570 = arith.constant 0 : i32
    %broadcast_in_dim3A_571 = vector.broadcast %jit3A_570 : i32 to vector<16xi32>
    %select_n3A_572 = arith.select %eq3A_569, %broadcast_in_dim3A_571, %get3A_563 : vector<16xi1>, vector<16xi32>
    %eq3A_573 = arith.constant -100 : i32
    %eq3A_574 = vector.broadcast %eq3A_573 : i32 to vector<16xi32>
    %eq3A_575 = arith.cmpi eq, %get3A_566, %eq3A_574 : vector<16xi32>
    %jit3A_576 = arith.constant 0 : i32
    %broadcast_in_dim3A_577 = vector.broadcast %jit3A_576 : i32 to vector<16xi32>
    %select_n3A_578 = arith.select %eq3A_575, %broadcast_in_dim3A_577, %get3A_566 : vector<16xi1>, vector<16xi32>
    %shift_right_logical3A_579 = arith.constant 3 : i32
    %shift_right_logical3A_580 = vector.broadcast %shift_right_logical3A_579 : i32 to vector<16xi32>
    %shift_right_logical3A_581 = arith.shrui %select_n3A_572, %shift_right_logical3A_580 : vector<16xi32>
    %mul3A_582 = arith.constant 65536 : i32
    %mul3A_583 = vector.broadcast %mul3A_582 : i32 to vector<16xi32>
    %mul3A_584 = arith.muli %shift_right_logical3A_581, %mul3A_583 : vector<16xi32>
    %shift_right_logical3A_585 = arith.constant 7 : i32
    %shift_right_logical3A_586 = vector.broadcast %shift_right_logical3A_585 : i32 to vector<16xi32>
    %shift_right_logical3A_587 = arith.shrui %select_n3A_578, %shift_right_logical3A_586 : vector<16xi32>
    %mul3A_588 = arith.constant 1024 : i32
    %mul3A_589 = vector.broadcast %mul3A_588 : i32 to vector<16xi32>
    %mul3A_590 = arith.muli %shift_right_logical3A_587, %mul3A_589 : vector<16xi32>
    %add3A_591 = arith.addi %mul3A_584, %mul3A_590 : vector<16xi32>
    %and3A_592 = arith.constant 7 : i32
    %and3A_593 = vector.broadcast %and3A_592 : i32 to vector<16xi32>
    %and3A_594 = arith.andi %select_n3A_572, %and3A_593 : vector<16xi32>
    %mul3A_595 = arith.constant 128 : i32
    %mul3A_596 = vector.broadcast %mul3A_595 : i32 to vector<16xi32>
    %mul3A_597 = arith.muli %and3A_594, %mul3A_596 : vector<16xi32>
    %add3A_598 = arith.addi %add3A_591, %mul3A_597 : vector<16xi32>
    %and3A_599 = arith.constant 127 : i32
    %and3A_600 = vector.broadcast %and3A_599 : i32 to vector<16xi32>
    %and3A_601 = arith.andi %select_n3A_578, %and3A_600 : vector<16xi32>
    %add3A_602 = arith.addi %add3A_598, %and3A_601 : vector<16xi32>
    %swap3A_603 = arith.constant 80 : index
    %swap3A_604 = tpu.vector_load %arg13[%swap3A_603] {strides = array<i32>} : memref<128xi32, #tpu.memory_space<vmem>>, vector<16xi32>,
    %swap3A_605 = vector.shape_cast %swap3A_604 : vector<16xi32> to vector<16xi32>
    %swap3A_606 = vector.shape_cast %add3A_602 : vector<16xi32> to vector<16xi32>
    tpu.vector_store %arg13[%swap3A_603], %swap3A_606 {strides = array<i32>} : memref<128xi32, #tpu.memory_space<vmem>>, vector<16xi32>,
    %get3A_607 = arith.constant 96 : index
    %get3A_608 = tpu.vector_load %arg9[%get3A_607] {strides = array<i32>} : memref<128xi32, #tpu.memory_space<vmem>>, vector<16xi32>,
    %get3A_609 = vector.shape_cast %get3A_608 : vector<16xi32> to vector<16xi32>
    %get3A_610 = arith.constant 96 : index
    %get3A_611 = tpu.vector_load %arg10[%get3A_610] {strides = array<i32>} : memref<128xi32, #tpu.memory_space<vmem>>, vector<16xi32>,
    %get3A_612 = vector.shape_cast %get3A_611 : vector<16xi32> to vector<16xi32>
    %eq3A_613 = arith.constant -100 : i32
    %eq3A_614 = vector.broadcast %eq3A_613 : i32 to vector<16xi32>
    %eq3A_615 = arith.cmpi eq, %get3A_609, %eq3A_614 : vector<16xi32>
    %jit3A_616 = arith.constant 0 : i32
    %broadcast_in_dim3A_617 = vector.broadcast %jit3A_616 : i32 to vector<16xi32>
    %select_n3A_618 = arith.select %eq3A_615, %broadcast_in_dim3A_617, %get3A_609 : vector<16xi1>, vector<16xi32>
    %eq3A_619 = arith.constant -100 : i32
    %eq3A_620 = vector.broadcast %eq3A_619 : i32 to vector<16xi32>
    %eq3A_621 = arith.cmpi eq, %get3A_612, %eq3A_620 : vector<16xi32>
    %jit3A_622 = arith.constant 0 : i32
    %broadcast_in_dim3A_623 = vector.broadcast %jit3A_622 : i32 to vector<16xi32>
    %select_n3A_624 = arith.select %eq3A_621, %broadcast_in_dim3A_623, %get3A_612 : vector<16xi1>, vector<16xi32>
    %shift_right_logical3A_625 = arith.constant 3 : i32
    %shift_right_logical3A_626 = vector.broadcast %shift_right_logical3A_625 : i32 to vector<16xi32>
    %shift_right_logical3A_627 = arith.shrui %select_n3A_618, %shift_right_logical3A_626 : vector<16xi32>
    %mul3A_628 = arith.constant 65536 : i32
    %mul3A_629 = vector.broadcast %mul3A_628 : i32 to vector<16xi32>
    %mul3A_630 = arith.muli %shift_right_logical3A_627, %mul3A_629 : vector<16xi32>
    %shift_right_logical3A_631 = arith.constant 7 : i32
    %shift_right_logical3A_632 = vector.broadcast %shift_right_logical3A_631 : i32 to vector<16xi32>
    %shift_right_logical3A_633 = arith.shrui %select_n3A_624, %shift_right_logical3A_632 : vector<16xi32>
    %mul3A_634 = arith.constant 1024 : i32
    %mul3A_635 = vector.broadcast %mul3A_634 : i32 to vector<16xi32>
    %mul3A_636 = arith.muli %shift_right_logical3A_633, %mul3A_635 : vector<16xi32>
    %add3A_637 = arith.addi %mul3A_630, %mul3A_636 : vector<16xi32>
    %and3A_638 = arith.constant 7 : i32
    %and3A_639 = vector.broadcast %and3A_638 : i32 to vector<16xi32>
    %and3A_640 = arith.andi %select_n3A_618, %and3A_639 : vector<16xi32>
    %mul3A_641 = arith.constant 128 : i32
    %mul3A_642 = vector.broadcast %mul3A_641 : i32 to vector<16xi32>
    %mul3A_643 = arith.muli %and3A_640, %mul3A_642 : vector<16xi32>
    %add3A_644 = arith.addi %add3A_637, %mul3A_643 : vector<16xi32>
    %and3A_645 = arith.constant 127 : i32
    %and3A_646 = vector.broadcast %and3A_645 : i32 to vector<16xi32>
    %and3A_647 = arith.andi %select_n3A_624, %and3A_646 : vector<16xi32>
    %add3A_648 = arith.addi %add3A_644, %and3A_647 : vector<16xi32>
    %swap3A_649 = arith.constant 96 : index
    %swap3A_650 = tpu.vector_load %arg13[%swap3A_649] {strides = array<i32>} : memref<128xi32, #tpu.memory_space<vmem>>, vector<16xi32>,
    %swap3A_651 = vector.shape_cast %swap3A_650 : vector<16xi32> to vector<16xi32>
    %swap3A_652 = vector.shape_cast %add3A_648 : vector<16xi32> to vector<16xi32>
    tpu.vector_store %arg13[%swap3A_649], %swap3A_652 {strides = array<i32>} : memref<128xi32, #tpu.memory_space<vmem>>, vector<16xi32>,
    %get3A_653 = arith.constant 112 : index
    %get3A_654 = tpu.vector_load %arg9[%get3A_653] {strides = array<i32>} : memref<128xi32, #tpu.memory_space<vmem>>, vector<16xi32>,
    %get3A_655 = vector.shape_cast %get3A_654 : vector<16xi32> to vector<16xi32>
    %get3A_656 = arith.constant 112 : index
    %get3A_657 = tpu.vector_load %arg10[%get3A_656] {strides = array<i32>} : memref<128xi32, #tpu.memory_space<vmem>>, vector<16xi32>,
    %get3A_658 = vector.shape_cast %get3A_657 : vector<16xi32> to vector<16xi32>
    %eq3A_659 = arith.constant -100 : i32
    %eq3A_660 = vector.broadcast %eq3A_659 : i32 to vector<16xi32>
    %eq3A_661 = arith.cmpi eq, %get3A_655, %eq3A_660 : vector<16xi32>
    %jit3A_662 = arith.constant 0 : i32
    %broadcast_in_dim3A_663 = vector.broadcast %jit3A_662 : i32 to vector<16xi32>
    %select_n3A_664 = arith.select %eq3A_661, %broadcast_in_dim3A_663, %get3A_655 : vector<16xi1>, vector<16xi32>
    %eq3A_665 = arith.constant -100 : i32
    %eq3A_666 = vector.broadcast %eq3A_665 : i32 to vector<16xi32>
    %eq3A_667 = arith.cmpi eq, %get3A_658, %eq3A_666 : vector<16xi32>
    %jit3A_668 = arith.constant 0 : i32
    %broadcast_in_dim3A_669 = vector.broadcast %jit3A_668 : i32 to vector<16xi32>
    %select_n3A_670 = arith.select %eq3A_667, %broadcast_in_dim3A_669, %get3A_658 : vector<16xi1>, vector<16xi32>
    %shift_right_logical3A_671 = arith.constant 3 : i32
    %shift_right_logical3A_672 = vector.broadcast %shift_right_logical3A_671 : i32 to vector<16xi32>
    %shift_right_logical3A_673 = arith.shrui %select_n3A_664, %shift_right_logical3A_672 : vector<16xi32>
    %mul3A_674 = arith.constant 65536 : i32
    %mul3A_675 = vector.broadcast %mul3A_674 : i32 to vector<16xi32>
    %mul3A_676 = arith.muli %shift_right_logical3A_673, %mul3A_675 : vector<16xi32>
    %shift_right_logical3A_677 = arith.constant 7 : i32
    %shift_right_logical3A_678 = vector.broadcast %shift_right_logical3A_677 : i32 to vector<16xi32>
    %shift_right_logical3A_679 = arith.shrui %select_n3A_670, %shift_right_logical3A_678 : vector<16xi32>
    %mul3A_680 = arith.constant 1024 : i32
    %mul3A_681 = vector.broadcast %mul3A_680 : i32 to vector<16xi32>
    %mul3A_682 = arith.muli %shift_right_logical3A_679, %mul3A_681 : vector<16xi32>
    %add3A_683 = arith.addi %mul3A_676, %mul3A_682 : vector<16xi32>
    %and3A_684 = arith.constant 7 : i32
    %and3A_685 = vector.broadcast %and3A_684 : i32 to vector<16xi32>
    %and3A_686 = arith.andi %select_n3A_664, %and3A_685 : vector<16xi32>
    %mul3A_687 = arith.constant 128 : i32
    %mul3A_688 = vector.broadcast %mul3A_687 : i32 to vector<16xi32>
    %mul3A_689 = arith.muli %and3A_686, %mul3A_688 : vector<16xi32>
    %add3A_690 = arith.addi %add3A_683, %mul3A_689 : vector<16xi32>
    %and3A_691 = arith.constant 127 : i32
    %and3A_692 = vector.broadcast %and3A_691 : i32 to vector<16xi32>
    %and3A_693 = arith.andi %select_n3A_670, %and3A_692 : vector<16xi32>
    %add3A_694 = arith.addi %add3A_690, %and3A_693 : vector<16xi32>
    %swap3A_695 = arith.constant 112 : index
    %swap3A_696 = tpu.vector_load %arg13[%swap3A_695] {strides = array<i32>} : memref<128xi32, #tpu.memory_space<vmem>>, vector<16xi32>,
    %swap3A_697 = vector.shape_cast %swap3A_696 : vector<16xi32> to vector<16xi32>
    %swap3A_698 = vector.shape_cast %add3A_694 : vector<16xi32> to vector<16xi32>
    tpu.vector_store %arg13[%swap3A_695], %swap3A_698 {strides = array<i32>} : memref<128xi32, #tpu.memory_space<vmem>>, vector<16xi32>,
    %dma_start3A_699 = arith.constant 0 : i32
    %dma_start3A_700 = tpu.memref_slice %arg4[%dma_start3A_699] : memref<67108864xf32, #tpu.memory_space<hbm>> -> memref<67108864xf32, #tpu.memory_space<hbm>>
    tpu.enqueue_indirect_dma source(%dma_start3A_700 : memref<67108864xf32, #tpu.memory_space<hbm>>) target(%arg16 : memref<128xf32, #tpu.memory_space<vmem>>) offsets(%arg13 : memref<128xi32, #tpu.memory_space<vmem>>) semaphore(%arg19 : memref<!tpu.dma_semaphore, #tpu.memory_space<semaphore_mem>>)
    %get3A_701 = arith.constant 0 : index
    %get3A_702 = tpu.vector_load %arg10[%get3A_701] {strides = array<i32>} : memref<128xi32, #tpu.memory_space<vmem>>, vector<16xi32>,
    %get3A_703 = vector.shape_cast %get3A_702 : vector<16xi32> to vector<16xi32>
    %eq3A_704 = arith.constant -100 : i32
    %eq3A_705 = vector.broadcast %eq3A_704 : i32 to vector<16xi32>
    %eq3A_706 = arith.cmpi eq, %get3A_703, %eq3A_705 : vector<16xi32>
    %jit3A_707 = arith.constant 0 : i32
    %broadcast_in_dim3A_708 = vector.broadcast %jit3A_707 : i32 to vector<16xi32>
    %select_n3A_709 = arith.select %eq3A_706, %broadcast_in_dim3A_708, %get3A_703 : vector<16xi1>, vector<16xi32>
    %add3A_710 = arith.constant 0 : i32
    %add3A_711 = arith.addi %mul3A_2, %add3A_710 : i32
    %add3A_712 = vector.broadcast %add3A_711 : i32 to vector<16xi32>
    %add3A_713 = arith.addi %add3A_712, %iota3A : vector<16xi32>
    %shift_right_logical3A_714 = arith.constant 3 : i32
    %shift_right_logical3A_715 = vector.broadcast %shift_right_logical3A_714 : i32 to vector<16xi32>
    %shift_right_logical3A_716 = arith.shrui %add3A_713, %shift_right_logical3A_715 : vector<16xi32>
    %mul3A_717 = arith.constant 65536 : i32
    %mul3A_718 = vector.broadcast %mul3A_717 : i32 to vector<16xi32>
    %mul3A_719 = arith.muli %shift_right_logical3A_716, %mul3A_718 : vector<16xi32>
    %shift_right_logical3A_720 = arith.constant 7 : i32
    %shift_right_logical3A_721 = vector.broadcast %shift_right_logical3A_720 : i32 to vector<16xi32>
    %shift_right_logical3A_722 = arith.shrui %select_n3A_709, %shift_right_logical3A_721 : vector<16xi32>
    %mul3A_723 = arith.constant 1024 : i32
    %mul3A_724 = vector.broadcast %mul3A_723 : i32 to vector<16xi32>
    %mul3A_725 = arith.muli %shift_right_logical3A_722, %mul3A_724 : vector<16xi32>
    %add3A_726 = arith.addi %mul3A_719, %mul3A_725 : vector<16xi32>
    %and3A_727 = arith.constant 7 : i32
    %and3A_728 = vector.broadcast %and3A_727 : i32 to vector<16xi32>
    %and3A_729 = arith.andi %add3A_713, %and3A_728 : vector<16xi32>
    %mul3A_730 = arith.constant 128 : i32
    %mul3A_731 = vector.broadcast %mul3A_730 : i32 to vector<16xi32>
    %mul3A_732 = arith.muli %and3A_729, %mul3A_731 : vector<16xi32>
    %add3A_733 = arith.addi %add3A_726, %mul3A_732 : vector<16xi32>
    %and3A_734 = arith.constant 127 : i32
    %and3A_735 = vector.broadcast %and3A_734 : i32 to vector<16xi32>
    %and3A_736 = arith.andi %select_n3A_709, %and3A_735 : vector<16xi32>
    %add3A_737 = arith.addi %add3A_733, %and3A_736 : vector<16xi32>
    %swap3A_738 = arith.constant 0 : index
    %swap3A_739 = tpu.vector_load %arg12[%swap3A_738] {strides = array<i32>} : memref<128xi32, #tpu.memory_space<vmem>>, vector<16xi32>,
    %swap3A_740 = vector.shape_cast %swap3A_739 : vector<16xi32> to vector<16xi32>
    %swap3A_741 = vector.shape_cast %add3A_737 : vector<16xi32> to vector<16xi32>
    tpu.vector_store %arg12[%swap3A_738], %swap3A_741 {strides = array<i32>} : memref<128xi32, #tpu.memory_space<vmem>>, vector<16xi32>,
    %get3A_742 = arith.constant 16 : index
    %get3A_743 = tpu.vector_load %arg10[%get3A_742] {strides = array<i32>} : memref<128xi32, #tpu.memory_space<vmem>>, vector<16xi32>,
    %get3A_744 = vector.shape_cast %get3A_743 : vector<16xi32> to vector<16xi32>
    %eq3A_745 = arith.constant -100 : i32
    %eq3A_746 = vector.broadcast %eq3A_745 : i32 to vector<16xi32>
    %eq3A_747 = arith.cmpi eq, %get3A_744, %eq3A_746 : vector<16xi32>
    %jit3A_748 = arith.constant 0 : i32
    %broadcast_in_dim3A_749 = vector.broadcast %jit3A_748 : i32 to vector<16xi32>
    %select_n3A_750 = arith.select %eq3A_747, %broadcast_in_dim3A_749, %get3A_744 : vector<16xi1>, vector<16xi32>
    %add3A_751 = arith.constant 16 : i32
    %add3A_752 = arith.addi %mul3A_2, %add3A_751 : i32
    %add3A_753 = vector.broadcast %add3A_752 : i32 to vector<16xi32>
    %add3A_754 = arith.addi %add3A_753, %iota3A : vector<16xi32>
    %shift_right_logical3A_755 = arith.constant 3 : i32
    %shift_right_logical3A_756 = vector.broadcast %shift_right_logical3A_755 : i32 to vector<16xi32>
    %shift_right_logical3A_757 = arith.shrui %add3A_754, %shift_right_logical3A_756 : vector<16xi32>
    %mul3A_758 = arith.constant 65536 : i32
    %mul3A_759 = vector.broadcast %mul3A_758 : i32 to vector<16xi32>
    %mul3A_760 = arith.muli %shift_right_logical3A_757, %mul3A_759 : vector<16xi32>
    %shift_right_logical3A_761 = arith.constant 7 : i32
    %shift_right_logical3A_762 = vector.broadcast %shift_right_logical3A_761 : i32 to vector<16xi32>
    %shift_right_logical3A_763 = arith.shrui %select_n3A_750, %shift_right_logical3A_762 : vector<16xi32>
    %mul3A_764 = arith.constant 1024 : i32
    %mul3A_765 = vector.broadcast %mul3A_764 : i32 to vector<16xi32>
    %mul3A_766 = arith.muli %shift_right_logical3A_763, %mul3A_765 : vector<16xi32>
    %add3A_767 = arith.addi %mul3A_760, %mul3A_766 : vector<16xi32>
    %and3A_768 = arith.constant 7 : i32
    %and3A_769 = vector.broadcast %and3A_768 : i32 to vector<16xi32>
    %and3A_770 = arith.andi %add3A_754, %and3A_769 : vector<16xi32>
    %mul3A_771 = arith.constant 128 : i32
    %mul3A_772 = vector.broadcast %mul3A_771 : i32 to vector<16xi32>
    %mul3A_773 = arith.muli %and3A_770, %mul3A_772 : vector<16xi32>
    %add3A_774 = arith.addi %add3A_767, %mul3A_773 : vector<16xi32>
    %and3A_775 = arith.constant 127 : i32
    %and3A_776 = vector.broadcast %and3A_775 : i32 to vector<16xi32>
    %and3A_777 = arith.andi %select_n3A_750, %and3A_776 : vector<16xi32>
    %add3A_778 = arith.addi %add3A_774, %and3A_777 : vector<16xi32>
    %swap3A_779 = arith.constant 16 : index
    %swap3A_780 = tpu.vector_load %arg12[%swap3A_779] {strides = array<i32>} : memref<128xi32, #tpu.memory_space<vmem>>, vector<16xi32>,
    %swap3A_781 = vector.shape_cast %swap3A_780 : vector<16xi32> to vector<16xi32>
    %swap3A_782 = vector.shape_cast %add3A_778 : vector<16xi32> to vector<16xi32>
    tpu.vector_store %arg12[%swap3A_779], %swap3A_782 {strides = array<i32>} : memref<128xi32, #tpu.memory_space<vmem>>, vector<16xi32>,
    %get3A_783 = arith.constant 32 : index
    %get3A_784 = tpu.vector_load %arg10[%get3A_783] {strides = array<i32>} : memref<128xi32, #tpu.memory_space<vmem>>, vector<16xi32>,
    %get3A_785 = vector.shape_cast %get3A_784 : vector<16xi32> to vector<16xi32>
    %eq3A_786 = arith.constant -100 : i32
    %eq3A_787 = vector.broadcast %eq3A_786 : i32 to vector<16xi32>
    %eq3A_788 = arith.cmpi eq, %get3A_785, %eq3A_787 : vector<16xi32>
    %jit3A_789 = arith.constant 0 : i32
    %broadcast_in_dim3A_790 = vector.broadcast %jit3A_789 : i32 to vector<16xi32>
    %select_n3A_791 = arith.select %eq3A_788, %broadcast_in_dim3A_790, %get3A_785 : vector<16xi1>, vector<16xi32>
    %add3A_792 = arith.constant 32 : i32
    %add3A_793 = arith.addi %mul3A_2, %add3A_792 : i32
    %add3A_794 = vector.broadcast %add3A_793 : i32 to vector<16xi32>
    %add3A_795 = arith.addi %add3A_794, %iota3A : vector<16xi32>
    %shift_right_logical3A_796 = arith.constant 3 : i32
    %shift_right_logical3A_797 = vector.broadcast %shift_right_logical3A_796 : i32 to vector<16xi32>
    %shift_right_logical3A_798 = arith.shrui %add3A_795, %shift_right_logical3A_797 : vector<16xi32>
    %mul3A_799 = arith.constant 65536 : i32
    %mul3A_800 = vector.broadcast %mul3A_799 : i32 to vector<16xi32>
    %mul3A_801 = arith.muli %shift_right_logical3A_798, %mul3A_800 : vector<16xi32>
    %shift_right_logical3A_802 = arith.constant 7 : i32
    %shift_right_logical3A_803 = vector.broadcast %shift_right_logical3A_802 : i32 to vector<16xi32>
    %shift_right_logical3A_804 = arith.shrui %select_n3A_791, %shift_right_logical3A_803 : vector<16xi32>
    %mul3A_805 = arith.constant 1024 : i32
    %mul3A_806 = vector.broadcast %mul3A_805 : i32 to vector<16xi32>
    %mul3A_807 = arith.muli %shift_right_logical3A_804, %mul3A_806 : vector<16xi32>
    %add3A_808 = arith.addi %mul3A_801, %mul3A_807 : vector<16xi32>
    %and3A_809 = arith.constant 7 : i32
    %and3A_810 = vector.broadcast %and3A_809 : i32 to vector<16xi32>
    %and3A_811 = arith.andi %add3A_795, %and3A_810 : vector<16xi32>
    %mul3A_812 = arith.constant 128 : i32
    %mul3A_813 = vector.broadcast %mul3A_812 : i32 to vector<16xi32>
    %mul3A_814 = arith.muli %and3A_811, %mul3A_813 : vector<16xi32>
    %add3A_815 = arith.addi %add3A_808, %mul3A_814 : vector<16xi32>
    %and3A_816 = arith.constant 127 : i32
    %and3A_817 = vector.broadcast %and3A_816 : i32 to vector<16xi32>
    %and3A_818 = arith.andi %select_n3A_791, %and3A_817 : vector<16xi32>
    %add3A_819 = arith.addi %add3A_815, %and3A_818 : vector<16xi32>
    %swap3A_820 = arith.constant 32 : index
    %swap3A_821 = tpu.vector_load %arg12[%swap3A_820] {strides = array<i32>} : memref<128xi32, #tpu.memory_space<vmem>>, vector<16xi32>,
    %swap3A_822 = vector.shape_cast %swap3A_821 : vector<16xi32> to vector<16xi32>
    %swap3A_823 = vector.shape_cast %add3A_819 : vector<16xi32> to vector<16xi32>
    tpu.vector_store %arg12[%swap3A_820], %swap3A_823 {strides = array<i32>} : memref<128xi32, #tpu.memory_space<vmem>>, vector<16xi32>,
    %get3A_824 = arith.constant 48 : index
    %get3A_825 = tpu.vector_load %arg10[%get3A_824] {strides = array<i32>} : memref<128xi32, #tpu.memory_space<vmem>>, vector<16xi32>,
    %get3A_826 = vector.shape_cast %get3A_825 : vector<16xi32> to vector<16xi32>
    %eq3A_827 = arith.constant -100 : i32
    %eq3A_828 = vector.broadcast %eq3A_827 : i32 to vector<16xi32>
    %eq3A_829 = arith.cmpi eq, %get3A_826, %eq3A_828 : vector<16xi32>
    %jit3A_830 = arith.constant 0 : i32
    %broadcast_in_dim3A_831 = vector.broadcast %jit3A_830 : i32 to vector<16xi32>
    %select_n3A_832 = arith.select %eq3A_829, %broadcast_in_dim3A_831, %get3A_826 : vector<16xi1>, vector<16xi32>
    %add3A_833 = arith.constant 48 : i32
    %add3A_834 = arith.addi %mul3A_2, %add3A_833 : i32
    %add3A_835 = vector.broadcast %add3A_834 : i32 to vector<16xi32>
    %add3A_836 = arith.addi %add3A_835, %iota3A : vector<16xi32>
    %shift_right_logical3A_837 = arith.constant 3 : i32
    %shift_right_logical3A_838 = vector.broadcast %shift_right_logical3A_837 : i32 to vector<16xi32>
    %shift_right_logical3A_839 = arith.shrui %add3A_836, %shift_right_logical3A_838 : vector<16xi32>
    %mul3A_840 = arith.constant 65536 : i32
    %mul3A_841 = vector.broadcast %mul3A_840 : i32 to vector<16xi32>
    %mul3A_842 = arith.muli %shift_right_logical3A_839, %mul3A_841 : vector<16xi32>
    %shift_right_logical3A_843 = arith.constant 7 : i32
    %shift_right_logical3A_844 = vector.broadcast %shift_right_logical3A_843 : i32 to vector<16xi32>
    %shift_right_logical3A_845 = arith.shrui %select_n3A_832, %shift_right_logical3A_844 : vector<16xi32>
    %mul3A_846 = arith.constant 1024 : i32
    %mul3A_847 = vector.broadcast %mul3A_846 : i32 to vector<16xi32>
    %mul3A_848 = arith.muli %shift_right_logical3A_845, %mul3A_847 : vector<16xi32>
    %add3A_849 = arith.addi %mul3A_842, %mul3A_848 : vector<16xi32>
    %and3A_850 = arith.constant 7 : i32
    %and3A_851 = vector.broadcast %and3A_850 : i32 to vector<16xi32>
    %and3A_852 = arith.andi %add3A_836, %and3A_851 : vector<16xi32>
    %mul3A_853 = arith.constant 128 : i32
    %mul3A_854 = vector.broadcast %mul3A_853 : i32 to vector<16xi32>
    %mul3A_855 = arith.muli %and3A_852, %mul3A_854 : vector<16xi32>
    %add3A_856 = arith.addi %add3A_849, %mul3A_855 : vector<16xi32>
    %and3A_857 = arith.constant 127 : i32
    %and3A_858 = vector.broadcast %and3A_857 : i32 to vector<16xi32>
    %and3A_859 = arith.andi %select_n3A_832, %and3A_858 : vector<16xi32>
    %add3A_860 = arith.addi %add3A_856, %and3A_859 : vector<16xi32>
    %swap3A_861 = arith.constant 48 : index
    %swap3A_862 = tpu.vector_load %arg12[%swap3A_861] {strides = array<i32>} : memref<128xi32, #tpu.memory_space<vmem>>, vector<16xi32>,
    %swap3A_863 = vector.shape_cast %swap3A_862 : vector<16xi32> to vector<16xi32>
    %swap3A_864 = vector.shape_cast %add3A_860 : vector<16xi32> to vector<16xi32>
    tpu.vector_store %arg12[%swap3A_861], %swap3A_864 {strides = array<i32>} : memref<128xi32, #tpu.memory_space<vmem>>, vector<16xi32>,
    %get3A_865 = arith.constant 64 : index
    %get3A_866 = tpu.vector_load %arg10[%get3A_865] {strides = array<i32>} : memref<128xi32, #tpu.memory_space<vmem>>, vector<16xi32>,
    %get3A_867 = vector.shape_cast %get3A_866 : vector<16xi32> to vector<16xi32>
    %eq3A_868 = arith.constant -100 : i32
    %eq3A_869 = vector.broadcast %eq3A_868 : i32 to vector<16xi32>
    %eq3A_870 = arith.cmpi eq, %get3A_867, %eq3A_869 : vector<16xi32>
    %jit3A_871 = arith.constant 0 : i32
    %broadcast_in_dim3A_872 = vector.broadcast %jit3A_871 : i32 to vector<16xi32>
    %select_n3A_873 = arith.select %eq3A_870, %broadcast_in_dim3A_872, %get3A_867 : vector<16xi1>, vector<16xi32>
    %add3A_874 = arith.constant 64 : i32
    %add3A_875 = arith.addi %mul3A_2, %add3A_874 : i32
    %add3A_876 = vector.broadcast %add3A_875 : i32 to vector<16xi32>
    %add3A_877 = arith.addi %add3A_876, %iota3A : vector<16xi32>
    %shift_right_logical3A_878 = arith.constant 3 : i32
    %shift_right_logical3A_879 = vector.broadcast %shift_right_logical3A_878 : i32 to vector<16xi32>
    %shift_right_logical3A_880 = arith.shrui %add3A_877, %shift_right_logical3A_879 : vector<16xi32>
    %mul3A_881 = arith.constant 65536 : i32
    %mul3A_882 = vector.broadcast %mul3A_881 : i32 to vector<16xi32>
    %mul3A_883 = arith.muli %shift_right_logical3A_880, %mul3A_882 : vector<16xi32>
    %shift_right_logical3A_884 = arith.constant 7 : i32
    %shift_right_logical3A_885 = vector.broadcast %shift_right_logical3A_884 : i32 to vector<16xi32>
    %shift_right_logical3A_886 = arith.shrui %select_n3A_873, %shift_right_logical3A_885 : vector<16xi32>
    %mul3A_887 = arith.constant 1024 : i32
    %mul3A_888 = vector.broadcast %mul3A_887 : i32 to vector<16xi32>
    %mul3A_889 = arith.muli %shift_right_logical3A_886, %mul3A_888 : vector<16xi32>
    %add3A_890 = arith.addi %mul3A_883, %mul3A_889 : vector<16xi32>
    %and3A_891 = arith.constant 7 : i32
    %and3A_892 = vector.broadcast %and3A_891 : i32 to vector<16xi32>
    %and3A_893 = arith.andi %add3A_877, %and3A_892 : vector<16xi32>
    %mul3A_894 = arith.constant 128 : i32
    %mul3A_895 = vector.broadcast %mul3A_894 : i32 to vector<16xi32>
    %mul3A_896 = arith.muli %and3A_893, %mul3A_895 : vector<16xi32>
    %add3A_897 = arith.addi %add3A_890, %mul3A_896 : vector<16xi32>
    %and3A_898 = arith.constant 127 : i32
    %and3A_899 = vector.broadcast %and3A_898 : i32 to vector<16xi32>
    %and3A_900 = arith.andi %select_n3A_873, %and3A_899 : vector<16xi32>
    %add3A_901 = arith.addi %add3A_897, %and3A_900 : vector<16xi32>
    %swap3A_902 = arith.constant 64 : index
    %swap3A_903 = tpu.vector_load %arg12[%swap3A_902] {strides = array<i32>} : memref<128xi32, #tpu.memory_space<vmem>>, vector<16xi32>,
    %swap3A_904 = vector.shape_cast %swap3A_903 : vector<16xi32> to vector<16xi32>
    %swap3A_905 = vector.shape_cast %add3A_901 : vector<16xi32> to vector<16xi32>
    tpu.vector_store %arg12[%swap3A_902], %swap3A_905 {strides = array<i32>} : memref<128xi32, #tpu.memory_space<vmem>>, vector<16xi32>,
    %get3A_906 = arith.constant 80 : index
    %get3A_907 = tpu.vector_load %arg10[%get3A_906] {strides = array<i32>} : memref<128xi32, #tpu.memory_space<vmem>>, vector<16xi32>,
    %get3A_908 = vector.shape_cast %get3A_907 : vector<16xi32> to vector<16xi32>
    %eq3A_909 = arith.constant -100 : i32
    %eq3A_910 = vector.broadcast %eq3A_909 : i32 to vector<16xi32>
    %eq3A_911 = arith.cmpi eq, %get3A_908, %eq3A_910 : vector<16xi32>
    %jit3A_912 = arith.constant 0 : i32
    %broadcast_in_dim3A_913 = vector.broadcast %jit3A_912 : i32 to vector<16xi32>
    %select_n3A_914 = arith.select %eq3A_911, %broadcast_in_dim3A_913, %get3A_908 : vector<16xi1>, vector<16xi32>
    %add3A_915 = arith.constant 80 : i32
    %add3A_916 = arith.addi %mul3A_2, %add3A_915 : i32
    %add3A_917 = vector.broadcast %add3A_916 : i32 to vector<16xi32>
    %add3A_918 = arith.addi %add3A_917, %iota3A : vector<16xi32>
    %shift_right_logical3A_919 = arith.constant 3 : i32
    %shift_right_logical3A_920 = vector.broadcast %shift_right_logical3A_919 : i32 to vector<16xi32>
    %shift_right_logical3A_921 = arith.shrui %add3A_918, %shift_right_logical3A_920 : vector<16xi32>
    %mul3A_922 = arith.constant 65536 : i32
    %mul3A_923 = vector.broadcast %mul3A_922 : i32 to vector<16xi32>
    %mul3A_924 = arith.muli %shift_right_logical3A_921, %mul3A_923 : vector<16xi32>
    %shift_right_logical3A_925 = arith.constant 7 : i32
    %shift_right_logical3A_926 = vector.broadcast %shift_right_logical3A_925 : i32 to vector<16xi32>
    %shift_right_logical3A_927 = arith.shrui %select_n3A_914, %shift_right_logical3A_926 : vector<16xi32>
    %mul3A_928 = arith.constant 1024 : i32
    %mul3A_929 = vector.broadcast %mul3A_928 : i32 to vector<16xi32>
    %mul3A_930 = arith.muli %shift_right_logical3A_927, %mul3A_929 : vector<16xi32>
    %add3A_931 = arith.addi %mul3A_924, %mul3A_930 : vector<16xi32>
    %and3A_932 = arith.constant 7 : i32
    %and3A_933 = vector.broadcast %and3A_932 : i32 to vector<16xi32>
    %and3A_934 = arith.andi %add3A_918, %and3A_933 : vector<16xi32>
    %mul3A_935 = arith.constant 128 : i32
    %mul3A_936 = vector.broadcast %mul3A_935 : i32 to vector<16xi32>
    %mul3A_937 = arith.muli %and3A_934, %mul3A_936 : vector<16xi32>
    %add3A_938 = arith.addi %add3A_931, %mul3A_937 : vector<16xi32>
    %and3A_939 = arith.constant 127 : i32
    %and3A_940 = vector.broadcast %and3A_939 : i32 to vector<16xi32>
    %and3A_941 = arith.andi %select_n3A_914, %and3A_940 : vector<16xi32>
    %add3A_942 = arith.addi %add3A_938, %and3A_941 : vector<16xi32>
    %swap3A_943 = arith.constant 80 : index
    %swap3A_944 = tpu.vector_load %arg12[%swap3A_943] {strides = array<i32>} : memref<128xi32, #tpu.memory_space<vmem>>, vector<16xi32>,
    %swap3A_945 = vector.shape_cast %swap3A_944 : vector<16xi32> to vector<16xi32>
    %swap3A_946 = vector.shape_cast %add3A_942 : vector<16xi32> to vector<16xi32>
    tpu.vector_store %arg12[%swap3A_943], %swap3A_946 {strides = array<i32>} : memref<128xi32, #tpu.memory_space<vmem>>, vector<16xi32>,
    %get3A_947 = arith.constant 96 : index
    %get3A_948 = tpu.vector_load %arg10[%get3A_947] {strides = array<i32>} : memref<128xi32, #tpu.memory_space<vmem>>, vector<16xi32>,
    %get3A_949 = vector.shape_cast %get3A_948 : vector<16xi32> to vector<16xi32>
    %eq3A_950 = arith.constant -100 : i32
    %eq3A_951 = vector.broadcast %eq3A_950 : i32 to vector<16xi32>
    %eq3A_952 = arith.cmpi eq, %get3A_949, %eq3A_951 : vector<16xi32>
    %jit3A_953 = arith.constant 0 : i32
    %broadcast_in_dim3A_954 = vector.broadcast %jit3A_953 : i32 to vector<16xi32>
    %select_n3A_955 = arith.select %eq3A_952, %broadcast_in_dim3A_954, %get3A_949 : vector<16xi1>, vector<16xi32>
    %add3A_956 = arith.constant 96 : i32
    %add3A_957 = arith.addi %mul3A_2, %add3A_956 : i32
    %add3A_958 = vector.broadcast %add3A_957 : i32 to vector<16xi32>
    %add3A_959 = arith.addi %add3A_958, %iota3A : vector<16xi32>
    %shift_right_logical3A_960 = arith.constant 3 : i32
    %shift_right_logical3A_961 = vector.broadcast %shift_right_logical3A_960 : i32 to vector<16xi32>
    %shift_right_logical3A_962 = arith.shrui %add3A_959, %shift_right_logical3A_961 : vector<16xi32>
    %mul3A_963 = arith.constant 65536 : i32
    %mul3A_964 = vector.broadcast %mul3A_963 : i32 to vector<16xi32>
    %mul3A_965 = arith.muli %shift_right_logical3A_962, %mul3A_964 : vector<16xi32>
    %shift_right_logical3A_966 = arith.constant 7 : i32
    %shift_right_logical3A_967 = vector.broadcast %shift_right_logical3A_966 : i32 to vector<16xi32>
    %shift_right_logical3A_968 = arith.shrui %select_n3A_955, %shift_right_logical3A_967 : vector<16xi32>
    %mul3A_969 = arith.constant 1024 : i32
    %mul3A_970 = vector.broadcast %mul3A_969 : i32 to vector<16xi32>
    %mul3A_971 = arith.muli %shift_right_logical3A_968, %mul3A_970 : vector<16xi32>
    %add3A_972 = arith.addi %mul3A_965, %mul3A_971 : vector<16xi32>
    %and3A_973 = arith.constant 7 : i32
    %and3A_974 = vector.broadcast %and3A_973 : i32 to vector<16xi32>
    %and3A_975 = arith.andi %add3A_959, %and3A_974 : vector<16xi32>
    %mul3A_976 = arith.constant 128 : i32
    %mul3A_977 = vector.broadcast %mul3A_976 : i32 to vector<16xi32>
    %mul3A_978 = arith.muli %and3A_975, %mul3A_977 : vector<16xi32>
    %add3A_979 = arith.addi %add3A_972, %mul3A_978 : vector<16xi32>
    %and3A_980 = arith.constant 127 : i32
    %and3A_981 = vector.broadcast %and3A_980 : i32 to vector<16xi32>
    %and3A_982 = arith.andi %select_n3A_955, %and3A_981 : vector<16xi32>
    %add3A_983 = arith.addi %add3A_979, %and3A_982 : vector<16xi32>
    %swap3A_984 = arith.constant 96 : index
    %swap3A_985 = tpu.vector_load %arg12[%swap3A_984] {strides = array<i32>} : memref<128xi32, #tpu.memory_space<vmem>>, vector<16xi32>,
    %swap3A_986 = vector.shape_cast %swap3A_985 : vector<16xi32> to vector<16xi32>
    %swap3A_987 = vector.shape_cast %add3A_983 : vector<16xi32> to vector<16xi32>
    tpu.vector_store %arg12[%swap3A_984], %swap3A_987 {strides = array<i32>} : memref<128xi32, #tpu.memory_space<vmem>>, vector<16xi32>,
    %get3A_988 = arith.constant 112 : index
    %get3A_989 = tpu.vector_load %arg10[%get3A_988] {strides = array<i32>} : memref<128xi32, #tpu.memory_space<vmem>>, vector<16xi32>,
    %get3A_990 = vector.shape_cast %get3A_989 : vector<16xi32> to vector<16xi32>
    %eq3A_991 = arith.constant -100 : i32
    %eq3A_992 = vector.broadcast %eq3A_991 : i32 to vector<16xi32>
    %eq3A_993 = arith.cmpi eq, %get3A_990, %eq3A_992 : vector<16xi32>
    %jit3A_994 = arith.constant 0 : i32
    %broadcast_in_dim3A_995 = vector.broadcast %jit3A_994 : i32 to vector<16xi32>
    %select_n3A_996 = arith.select %eq3A_993, %broadcast_in_dim3A_995, %get3A_990 : vector<16xi1>, vector<16xi32>
    %add3A_997 = arith.constant 112 : i32
    %add3A_998 = arith.addi %mul3A_2, %add3A_997 : i32
    %add3A_999 = vector.broadcast %add3A_998 : i32 to vector<16xi32>
    %add3A_1000 = arith.addi %add3A_999, %iota3A : vector<16xi32>
    %shift_right_logical3A_1001 = arith.constant 3 : i32
    %shift_right_logical3A_1002 = vector.broadcast %shift_right_logical3A_1001 : i32 to vector<16xi32>
    %shift_right_logical3A_1003 = arith.shrui %add3A_1000, %shift_right_logical3A_1002 : vector<16xi32>
    %mul3A_1004 = arith.constant 65536 : i32
    %mul3A_1005 = vector.broadcast %mul3A_1004 : i32 to vector<16xi32>
    %mul3A_1006 = arith.muli %shift_right_logical3A_1003, %mul3A_1005 : vector<16xi32>
    %shift_right_logical3A_1007 = arith.constant 7 : i32
    %shift_right_logical3A_1008 = vector.broadcast %shift_right_logical3A_1007 : i32 to vector<16xi32>
    %shift_right_logical3A_1009 = arith.shrui %select_n3A_996, %shift_right_logical3A_1008 : vector<16xi32>
    %mul3A_1010 = arith.constant 1024 : i32
    %mul3A_1011 = vector.broadcast %mul3A_1010 : i32 to vector<16xi32>
    %mul3A_1012 = arith.muli %shift_right_logical3A_1009, %mul3A_1011 : vector<16xi32>
    %add3A_1013 = arith.addi %mul3A_1006, %mul3A_1012 : vector<16xi32>
    %and3A_1014 = arith.constant 7 : i32
    %and3A_1015 = vector.broadcast %and3A_1014 : i32 to vector<16xi32>
    %and3A_1016 = arith.andi %add3A_1000, %and3A_1015 : vector<16xi32>
    %mul3A_1017 = arith.constant 128 : i32
    %mul3A_1018 = vector.broadcast %mul3A_1017 : i32 to vector<16xi32>
    %mul3A_1019 = arith.muli %and3A_1016, %mul3A_1018 : vector<16xi32>
    %add3A_1020 = arith.addi %add3A_1013, %mul3A_1019 : vector<16xi32>
    %and3A_1021 = arith.constant 127 : i32
    %and3A_1022 = vector.broadcast %and3A_1021 : i32 to vector<16xi32>
    %and3A_1023 = arith.andi %select_n3A_996, %and3A_1022 : vector<16xi32>
    %add3A_1024 = arith.addi %add3A_1020, %and3A_1023 : vector<16xi32>
    %swap3A_1025 = arith.constant 112 : index
    %swap3A_1026 = tpu.vector_load %arg12[%swap3A_1025] {strides = array<i32>} : memref<128xi32, #tpu.memory_space<vmem>>, vector<16xi32>,
    %swap3A_1027 = vector.shape_cast %swap3A_1026 : vector<16xi32> to vector<16xi32>
    %swap3A_1028 = vector.shape_cast %add3A_1024 : vector<16xi32> to vector<16xi32>
    tpu.vector_store %arg12[%swap3A_1025], %swap3A_1028 {strides = array<i32>} : memref<128xi32, #tpu.memory_space<vmem>>, vector<16xi32>,
    %dma_start3A_1029 = arith.constant 0 : i32
    %dma_start3A_1030 = tpu.memref_slice %arg3[%dma_start3A_1029] : memref<33554432xf32, #tpu.memory_space<hbm>> -> memref<33554432xf32, #tpu.memory_space<hbm>>
    tpu.enqueue_indirect_dma source(%dma_start3A_1030 : memref<33554432xf32, #tpu.memory_space<hbm>>) target(%arg15 : memref<128xf32, #tpu.memory_space<vmem>>) offsets(%arg12 : memref<128xi32, #tpu.memory_space<vmem>>) semaphore(%arg18 : memref<!tpu.dma_semaphore, #tpu.memory_space<semaphore_mem>>)
    %dma_wait3A_1031 = arith.constant 0 : i32
    %dma_wait3A_1032 = tpu.memref_slice %arg2[%dma_wait3A_1031] : memref<33554432xf32, #tpu.memory_space<hbm>> -> memref<33554432xf32, #tpu.memory_space<hbm>>
    tpu.wait_indirect_dma semaphore(%arg17 : memref<!tpu.dma_semaphore, #tpu.memory_space<semaphore_mem>>) src(%dma_wait3A_1032 : memref<33554432xf32, #tpu.memory_space<hbm>>) dst(%arg14 : memref<128xf32, #tpu.memory_space<vmem>>)
    %dma_wait3A_1033 = arith.constant 0 : i32
    %dma_wait3A_1034 = tpu.memref_slice %arg4[%dma_wait3A_1033] : memref<67108864xf32, #tpu.memory_space<hbm>> -> memref<67108864xf32, #tpu.memory_space<hbm>>
    tpu.wait_indirect_dma semaphore(%arg19 : memref<!tpu.dma_semaphore, #tpu.memory_space<semaphore_mem>>) src(%dma_wait3A_1034 : memref<67108864xf32, #tpu.memory_space<hbm>>) dst(%arg16 : memref<128xf32, #tpu.memory_space<vmem>>)
    %get3A_1035 = arith.constant 0 : index
    %get3A_1036 = tpu.vector_load %arg16[%get3A_1035] {strides = array<i32>} : memref<128xf32, #tpu.memory_space<vmem>>, vector<16xf32>,
    %get3A_1037 = vector.shape_cast %get3A_1036 : vector<16xf32> to vector<16xf32>
    %jit3A_1038 = arith.constant 0.000000e+00 : f32
    %jit3A_1039 = arith.constant 1.000000e+00 : f32
    %max3A = vector.broadcast %jit3A_1038 : f32 to vector<16xf32>
    %max3A_1040 = arith.maximumf %max3A, %get3A_1037 : vector<16xf32>
    %min3A = vector.broadcast %jit3A_1039 : f32 to vector<16xf32>
    %min3A_1041 = arith.minimumf %min3A, %max3A_1040 : vector<16xf32>
    %get3A_1042 = arith.constant 0 : index
    %get3A_1043 = tpu.vector_load %arg9[%get3A_1042] {strides = array<i32>} : memref<128xi32, #tpu.memory_space<vmem>>, vector<16xi32>,
    %get3A_1044 = vector.shape_cast %get3A_1043 : vector<16xi32> to vector<16xi32>
    %ne3A = arith.constant -100 : i32
    %ne3A_1045 = vector.broadcast %ne3A : i32 to vector<16xi32>
    %ne3A_1046 = arith.cmpi ne, %get3A_1044, %ne3A_1045 : vector<16xi32>
    %get3A_1047 = arith.constant 0 : index
    %get3A_1048 = tpu.vector_load %arg14[%get3A_1047] {strides = array<i32>} : memref<128xf32, #tpu.memory_space<vmem>>, vector<16xf32>,
    %get3A_1049 = vector.shape_cast %get3A_1048 : vector<16xf32> to vector<16xf32>
    %mul3A_1050 = arith.mulf %get3A_1049, %min3A_1041 : vector<16xf32>
    %jit3A_1051 = arith.constant 1.000000e+00 : f32
    %broadcast_in_dim3A_1052 = vector.broadcast %jit3A_1051 : f32 to vector<16xf32>
    %select_n3A_1053 = arith.select %ne3A_1046, %mul3A_1050, %broadcast_in_dim3A_1052 : vector<16xi1>, vector<16xf32>
    %swap3A_1054 = arith.constant 0 : index
    %swap3A_1055 = tpu.vector_load %arg14[%swap3A_1054] {strides = array<i32>} : memref<128xf32, #tpu.memory_space<vmem>>, vector<16xf32>,
    %swap3A_1056 = vector.shape_cast %swap3A_1055 : vector<16xf32> to vector<16xf32>
    %swap3A_1057 = vector.shape_cast %select_n3A_1053 : vector<16xf32> to vector<16xf32>
    tpu.vector_store %arg14[%swap3A_1054], %swap3A_1057 {strides = array<i32>} : memref<128xf32, #tpu.memory_space<vmem>>, vector<16xf32>,
    %get3A_1058 = arith.constant 16 : index
    %get3A_1059 = tpu.vector_load %arg16[%get3A_1058] {strides = array<i32>} : memref<128xf32, #tpu.memory_space<vmem>>, vector<16xf32>,
    %get3A_1060 = vector.shape_cast %get3A_1059 : vector<16xf32> to vector<16xf32>
    %jit3A_1061 = arith.constant 0.000000e+00 : f32
    %jit3A_1062 = arith.constant 1.000000e+00 : f32
    %max3A_1063 = vector.broadcast %jit3A_1061 : f32 to vector<16xf32>
    %max3A_1064 = arith.maximumf %max3A_1063, %get3A_1060 : vector<16xf32>
    %min3A_1065 = vector.broadcast %jit3A_1062 : f32 to vector<16xf32>
    %min3A_1066 = arith.minimumf %min3A_1065, %max3A_1064 : vector<16xf32>
    %get3A_1067 = arith.constant 16 : index
    %get3A_1068 = tpu.vector_load %arg9[%get3A_1067] {strides = array<i32>} : memref<128xi32, #tpu.memory_space<vmem>>, vector<16xi32>,
    %get3A_1069 = vector.shape_cast %get3A_1068 : vector<16xi32> to vector<16xi32>
    %ne3A_1070 = arith.constant -100 : i32
    %ne3A_1071 = vector.broadcast %ne3A_1070 : i32 to vector<16xi32>
    %ne3A_1072 = arith.cmpi ne, %get3A_1069, %ne3A_1071 : vector<16xi32>
    %get3A_1073 = arith.constant 16 : index
    %get3A_1074 = tpu.vector_load %arg14[%get3A_1073] {strides = array<i32>} : memref<128xf32, #tpu.memory_space<vmem>>, vector<16xf32>,
    %get3A_1075 = vector.shape_cast %get3A_1074 : vector<16xf32> to vector<16xf32>
    %mul3A_1076 = arith.mulf %get3A_1075, %min3A_1066 : vector<16xf32>
    %jit3A_1077 = arith.constant 1.000000e+00 : f32
    %broadcast_in_dim3A_1078 = vector.broadcast %jit3A_1077 : f32 to vector<16xf32>
    %select_n3A_1079 = arith.select %ne3A_1072, %mul3A_1076, %broadcast_in_dim3A_1078 : vector<16xi1>, vector<16xf32>
    %swap3A_1080 = arith.constant 16 : index
    %swap3A_1081 = tpu.vector_load %arg14[%swap3A_1080] {strides = array<i32>} : memref<128xf32, #tpu.memory_space<vmem>>, vector<16xf32>,
    %swap3A_1082 = vector.shape_cast %swap3A_1081 : vector<16xf32> to vector<16xf32>
    %swap3A_1083 = vector.shape_cast %select_n3A_1079 : vector<16xf32> to vector<16xf32>
    tpu.vector_store %arg14[%swap3A_1080], %swap3A_1083 {strides = array<i32>} : memref<128xf32, #tpu.memory_space<vmem>>, vector<16xf32>,
    %get3A_1084 = arith.constant 32 : index
    %get3A_1085 = tpu.vector_load %arg16[%get3A_1084] {strides = array<i32>} : memref<128xf32, #tpu.memory_space<vmem>>, vector<16xf32>,
    %get3A_1086 = vector.shape_cast %get3A_1085 : vector<16xf32> to vector<16xf32>
    %jit3A_1087 = arith.constant 0.000000e+00 : f32
    %jit3A_1088 = arith.constant 1.000000e+00 : f32
    %max3A_1089 = vector.broadcast %jit3A_1087 : f32 to vector<16xf32>
    %max3A_1090 = arith.maximumf %max3A_1089, %get3A_1086 : vector<16xf32>
    %min3A_1091 = vector.broadcast %jit3A_1088 : f32 to vector<16xf32>
    %min3A_1092 = arith.minimumf %min3A_1091, %max3A_1090 : vector<16xf32>
    %get3A_1093 = arith.constant 32 : index
    %get3A_1094 = tpu.vector_load %arg9[%get3A_1093] {strides = array<i32>} : memref<128xi32, #tpu.memory_space<vmem>>, vector<16xi32>,
    %get3A_1095 = vector.shape_cast %get3A_1094 : vector<16xi32> to vector<16xi32>
    %ne3A_1096 = arith.constant -100 : i32
    %ne3A_1097 = vector.broadcast %ne3A_1096 : i32 to vector<16xi32>
    %ne3A_1098 = arith.cmpi ne, %get3A_1095, %ne3A_1097 : vector<16xi32>
    %get3A_1099 = arith.constant 32 : index
    %get3A_1100 = tpu.vector_load %arg14[%get3A_1099] {strides = array<i32>} : memref<128xf32, #tpu.memory_space<vmem>>, vector<16xf32>,
    %get3A_1101 = vector.shape_cast %get3A_1100 : vector<16xf32> to vector<16xf32>
    %mul3A_1102 = arith.mulf %get3A_1101, %min3A_1092 : vector<16xf32>
    %jit3A_1103 = arith.constant 1.000000e+00 : f32
    %broadcast_in_dim3A_1104 = vector.broadcast %jit3A_1103 : f32 to vector<16xf32>
    %select_n3A_1105 = arith.select %ne3A_1098, %mul3A_1102, %broadcast_in_dim3A_1104 : vector<16xi1>, vector<16xf32>
    %swap3A_1106 = arith.constant 32 : index
    %swap3A_1107 = tpu.vector_load %arg14[%swap3A_1106] {strides = array<i32>} : memref<128xf32, #tpu.memory_space<vmem>>, vector<16xf32>,
    %swap3A_1108 = vector.shape_cast %swap3A_1107 : vector<16xf32> to vector<16xf32>
    %swap3A_1109 = vector.shape_cast %select_n3A_1105 : vector<16xf32> to vector<16xf32>
    tpu.vector_store %arg14[%swap3A_1106], %swap3A_1109 {strides = array<i32>} : memref<128xf32, #tpu.memory_space<vmem>>, vector<16xf32>,
    %get3A_1110 = arith.constant 48 : index
    %get3A_1111 = tpu.vector_load %arg16[%get3A_1110] {strides = array<i32>} : memref<128xf32, #tpu.memory_space<vmem>>, vector<16xf32>,
    %get3A_1112 = vector.shape_cast %get3A_1111 : vector<16xf32> to vector<16xf32>
    %jit3A_1113 = arith.constant 0.000000e+00 : f32
    %jit3A_1114 = arith.constant 1.000000e+00 : f32
    %max3A_1115 = vector.broadcast %jit3A_1113 : f32 to vector<16xf32>
    %max3A_1116 = arith.maximumf %max3A_1115, %get3A_1112 : vector<16xf32>
    %min3A_1117 = vector.broadcast %jit3A_1114 : f32 to vector<16xf32>
    %min3A_1118 = arith.minimumf %min3A_1117, %max3A_1116 : vector<16xf32>
    %get3A_1119 = arith.constant 48 : index
    %get3A_1120 = tpu.vector_load %arg9[%get3A_1119] {strides = array<i32>} : memref<128xi32, #tpu.memory_space<vmem>>, vector<16xi32>,
    %get3A_1121 = vector.shape_cast %get3A_1120 : vector<16xi32> to vector<16xi32>
    %ne3A_1122 = arith.constant -100 : i32
    %ne3A_1123 = vector.broadcast %ne3A_1122 : i32 to vector<16xi32>
    %ne3A_1124 = arith.cmpi ne, %get3A_1121, %ne3A_1123 : vector<16xi32>
    %get3A_1125 = arith.constant 48 : index
    %get3A_1126 = tpu.vector_load %arg14[%get3A_1125] {strides = array<i32>} : memref<128xf32, #tpu.memory_space<vmem>>, vector<16xf32>,
    %get3A_1127 = vector.shape_cast %get3A_1126 : vector<16xf32> to vector<16xf32>
    %mul3A_1128 = arith.mulf %get3A_1127, %min3A_1118 : vector<16xf32>
    %jit3A_1129 = arith.constant 1.000000e+00 : f32
    %broadcast_in_dim3A_1130 = vector.broadcast %jit3A_1129 : f32 to vector<16xf32>
    %select_n3A_1131 = arith.select %ne3A_1124, %mul3A_1128, %broadcast_in_dim3A_1130 : vector<16xi1>, vector<16xf32>
    %swap3A_1132 = arith.constant 48 : index
    %swap3A_1133 = tpu.vector_load %arg14[%swap3A_1132] {strides = array<i32>} : memref<128xf32, #tpu.memory_space<vmem>>, vector<16xf32>,
    %swap3A_1134 = vector.shape_cast %swap3A_1133 : vector<16xf32> to vector<16xf32>
    %swap3A_1135 = vector.shape_cast %select_n3A_1131 : vector<16xf32> to vector<16xf32>
    tpu.vector_store %arg14[%swap3A_1132], %swap3A_1135 {strides = array<i32>} : memref<128xf32, #tpu.memory_space<vmem>>, vector<16xf32>,
    %get3A_1136 = arith.constant 64 : index
    %get3A_1137 = tpu.vector_load %arg16[%get3A_1136] {strides = array<i32>} : memref<128xf32, #tpu.memory_space<vmem>>, vector<16xf32>,
    %get3A_1138 = vector.shape_cast %get3A_1137 : vector<16xf32> to vector<16xf32>
    %jit3A_1139 = arith.constant 0.000000e+00 : f32
    %jit3A_1140 = arith.constant 1.000000e+00 : f32
    %max3A_1141 = vector.broadcast %jit3A_1139 : f32 to vector<16xf32>
    %max3A_1142 = arith.maximumf %max3A_1141, %get3A_1138 : vector<16xf32>
    %min3A_1143 = vector.broadcast %jit3A_1140 : f32 to vector<16xf32>
    %min3A_1144 = arith.minimumf %min3A_1143, %max3A_1142 : vector<16xf32>
    %get3A_1145 = arith.constant 64 : index
    %get3A_1146 = tpu.vector_load %arg9[%get3A_1145] {strides = array<i32>} : memref<128xi32, #tpu.memory_space<vmem>>, vector<16xi32>,
    %get3A_1147 = vector.shape_cast %get3A_1146 : vector<16xi32> to vector<16xi32>
    %ne3A_1148 = arith.constant -100 : i32
    %ne3A_1149 = vector.broadcast %ne3A_1148 : i32 to vector<16xi32>
    %ne3A_1150 = arith.cmpi ne, %get3A_1147, %ne3A_1149 : vector<16xi32>
    %get3A_1151 = arith.constant 64 : index
    %get3A_1152 = tpu.vector_load %arg14[%get3A_1151] {strides = array<i32>} : memref<128xf32, #tpu.memory_space<vmem>>, vector<16xf32>,
    %get3A_1153 = vector.shape_cast %get3A_1152 : vector<16xf32> to vector<16xf32>
    %mul3A_1154 = arith.mulf %get3A_1153, %min3A_1144 : vector<16xf32>
    %jit3A_1155 = arith.constant 1.000000e+00 : f32
    %broadcast_in_dim3A_1156 = vector.broadcast %jit3A_1155 : f32 to vector<16xf32>
    %select_n3A_1157 = arith.select %ne3A_1150, %mul3A_1154, %broadcast_in_dim3A_1156 : vector<16xi1>, vector<16xf32>
    %swap3A_1158 = arith.constant 64 : index
    %swap3A_1159 = tpu.vector_load %arg14[%swap3A_1158] {strides = array<i32>} : memref<128xf32, #tpu.memory_space<vmem>>, vector<16xf32>,
    %swap3A_1160 = vector.shape_cast %swap3A_1159 : vector<16xf32> to vector<16xf32>
    %swap3A_1161 = vector.shape_cast %select_n3A_1157 : vector<16xf32> to vector<16xf32>
    tpu.vector_store %arg14[%swap3A_1158], %swap3A_1161 {strides = array<i32>} : memref<128xf32, #tpu.memory_space<vmem>>, vector<16xf32>,
    %get3A_1162 = arith.constant 80 : index
    %get3A_1163 = tpu.vector_load %arg16[%get3A_1162] {strides = array<i32>} : memref<128xf32, #tpu.memory_space<vmem>>, vector<16xf32>,
    %get3A_1164 = vector.shape_cast %get3A_1163 : vector<16xf32> to vector<16xf32>
    %jit3A_1165 = arith.constant 0.000000e+00 : f32
    %jit3A_1166 = arith.constant 1.000000e+00 : f32
    %max3A_1167 = vector.broadcast %jit3A_1165 : f32 to vector<16xf32>
    %max3A_1168 = arith.maximumf %max3A_1167, %get3A_1164 : vector<16xf32>
    %min3A_1169 = vector.broadcast %jit3A_1166 : f32 to vector<16xf32>
    %min3A_1170 = arith.minimumf %min3A_1169, %max3A_1168 : vector<16xf32>
    %get3A_1171 = arith.constant 80 : index
    %get3A_1172 = tpu.vector_load %arg9[%get3A_1171] {strides = array<i32>} : memref<128xi32, #tpu.memory_space<vmem>>, vector<16xi32>,
    %get3A_1173 = vector.shape_cast %get3A_1172 : vector<16xi32> to vector<16xi32>
    %ne3A_1174 = arith.constant -100 : i32
    %ne3A_1175 = vector.broadcast %ne3A_1174 : i32 to vector<16xi32>
    %ne3A_1176 = arith.cmpi ne, %get3A_1173, %ne3A_1175 : vector<16xi32>
    %get3A_1177 = arith.constant 80 : index
    %get3A_1178 = tpu.vector_load %arg14[%get3A_1177] {strides = array<i32>} : memref<128xf32, #tpu.memory_space<vmem>>, vector<16xf32>,
    %get3A_1179 = vector.shape_cast %get3A_1178 : vector<16xf32> to vector<16xf32>
    %mul3A_1180 = arith.mulf %get3A_1179, %min3A_1170 : vector<16xf32>
    %jit3A_1181 = arith.constant 1.000000e+00 : f32
    %broadcast_in_dim3A_1182 = vector.broadcast %jit3A_1181 : f32 to vector<16xf32>
    %select_n3A_1183 = arith.select %ne3A_1176, %mul3A_1180, %broadcast_in_dim3A_1182 : vector<16xi1>, vector<16xf32>
    %swap3A_1184 = arith.constant 80 : index
    %swap3A_1185 = tpu.vector_load %arg14[%swap3A_1184] {strides = array<i32>} : memref<128xf32, #tpu.memory_space<vmem>>, vector<16xf32>,
    %swap3A_1186 = vector.shape_cast %swap3A_1185 : vector<16xf32> to vector<16xf32>
    %swap3A_1187 = vector.shape_cast %select_n3A_1183 : vector<16xf32> to vector<16xf32>
    tpu.vector_store %arg14[%swap3A_1184], %swap3A_1187 {strides = array<i32>} : memref<128xf32, #tpu.memory_space<vmem>>, vector<16xf32>,
    %get3A_1188 = arith.constant 96 : index
    %get3A_1189 = tpu.vector_load %arg16[%get3A_1188] {strides = array<i32>} : memref<128xf32, #tpu.memory_space<vmem>>, vector<16xf32>,
    %get3A_1190 = vector.shape_cast %get3A_1189 : vector<16xf32> to vector<16xf32>
    %jit3A_1191 = arith.constant 0.000000e+00 : f32
    %jit3A_1192 = arith.constant 1.000000e+00 : f32
    %max3A_1193 = vector.broadcast %jit3A_1191 : f32 to vector<16xf32>
    %max3A_1194 = arith.maximumf %max3A_1193, %get3A_1190 : vector<16xf32>
    %min3A_1195 = vector.broadcast %jit3A_1192 : f32 to vector<16xf32>
    %min3A_1196 = arith.minimumf %min3A_1195, %max3A_1194 : vector<16xf32>
    %get3A_1197 = arith.constant 96 : index
    %get3A_1198 = tpu.vector_load %arg9[%get3A_1197] {strides = array<i32>} : memref<128xi32, #tpu.memory_space<vmem>>, vector<16xi32>,
    %get3A_1199 = vector.shape_cast %get3A_1198 : vector<16xi32> to vector<16xi32>
    %ne3A_1200 = arith.constant -100 : i32
    %ne3A_1201 = vector.broadcast %ne3A_1200 : i32 to vector<16xi32>
    %ne3A_1202 = arith.cmpi ne, %get3A_1199, %ne3A_1201 : vector<16xi32>
    %get3A_1203 = arith.constant 96 : index
    %get3A_1204 = tpu.vector_load %arg14[%get3A_1203] {strides = array<i32>} : memref<128xf32, #tpu.memory_space<vmem>>, vector<16xf32>,
    %get3A_1205 = vector.shape_cast %get3A_1204 : vector<16xf32> to vector<16xf32>
    %mul3A_1206 = arith.mulf %get3A_1205, %min3A_1196 : vector<16xf32>
    %jit3A_1207 = arith.constant 1.000000e+00 : f32
    %broadcast_in_dim3A_1208 = vector.broadcast %jit3A_1207 : f32 to vector<16xf32>
    %select_n3A_1209 = arith.select %ne3A_1202, %mul3A_1206, %broadcast_in_dim3A_1208 : vector<16xi1>, vector<16xf32>
    %swap3A_1210 = arith.constant 96 : index
    %swap3A_1211 = tpu.vector_load %arg14[%swap3A_1210] {strides = array<i32>} : memref<128xf32, #tpu.memory_space<vmem>>, vector<16xf32>,
    %swap3A_1212 = vector.shape_cast %swap3A_1211 : vector<16xf32> to vector<16xf32>
    %swap3A_1213 = vector.shape_cast %select_n3A_1209 : vector<16xf32> to vector<16xf32>
    tpu.vector_store %arg14[%swap3A_1210], %swap3A_1213 {strides = array<i32>} : memref<128xf32, #tpu.memory_space<vmem>>, vector<16xf32>,
    %get3A_1214 = arith.constant 112 : index
    %get3A_1215 = tpu.vector_load %arg16[%get3A_1214] {strides = array<i32>} : memref<128xf32, #tpu.memory_space<vmem>>, vector<16xf32>,
    %get3A_1216 = vector.shape_cast %get3A_1215 : vector<16xf32> to vector<16xf32>
    %jit3A_1217 = arith.constant 0.000000e+00 : f32
    %jit3A_1218 = arith.constant 1.000000e+00 : f32
    %max3A_1219 = vector.broadcast %jit3A_1217 : f32 to vector<16xf32>
    %max3A_1220 = arith.maximumf %max3A_1219, %get3A_1216 : vector<16xf32>
    %min3A_1221 = vector.broadcast %jit3A_1218 : f32 to vector<16xf32>
    %min3A_1222 = arith.minimumf %min3A_1221, %max3A_1220 : vector<16xf32>
    %get3A_1223 = arith.constant 112 : index
    %get3A_1224 = tpu.vector_load %arg9[%get3A_1223] {strides = array<i32>} : memref<128xi32, #tpu.memory_space<vmem>>, vector<16xi32>,
    %get3A_1225 = vector.shape_cast %get3A_1224 : vector<16xi32> to vector<16xi32>
    %ne3A_1226 = arith.constant -100 : i32
    %ne3A_1227 = vector.broadcast %ne3A_1226 : i32 to vector<16xi32>
    %ne3A_1228 = arith.cmpi ne, %get3A_1225, %ne3A_1227 : vector<16xi32>
    %get3A_1229 = arith.constant 112 : index
    %get3A_1230 = tpu.vector_load %arg14[%get3A_1229] {strides = array<i32>} : memref<128xf32, #tpu.memory_space<vmem>>, vector<16xf32>,
    %get3A_1231 = vector.shape_cast %get3A_1230 : vector<16xf32> to vector<16xf32>
    %mul3A_1232 = arith.mulf %get3A_1231, %min3A_1222 : vector<16xf32>
    %jit3A_1233 = arith.constant 1.000000e+00 : f32
    %broadcast_in_dim3A_1234 = vector.broadcast %jit3A_1233 : f32 to vector<16xf32>
    %select_n3A_1235 = arith.select %ne3A_1228, %mul3A_1232, %broadcast_in_dim3A_1234 : vector<16xi1>, vector<16xf32>
    %swap3A_1236 = arith.constant 112 : index
    %swap3A_1237 = tpu.vector_load %arg14[%swap3A_1236] {strides = array<i32>} : memref<128xf32, #tpu.memory_space<vmem>>, vector<16xf32>,
    %swap3A_1238 = vector.shape_cast %swap3A_1237 : vector<16xf32> to vector<16xf32>
    %swap3A_1239 = vector.shape_cast %select_n3A_1235 : vector<16xf32> to vector<16xf32>
    tpu.vector_store %arg14[%swap3A_1236], %swap3A_1239 {strides = array<i32>} : memref<128xf32, #tpu.memory_space<vmem>>, vector<16xf32>,
    %dma_start3A_1240 = tpu.memref_slice %arg7[%mul3A_2] : memref<4096xf32, #tpu.memory_space<hbm>> -> memref<128xf32, #tpu.memory_space<hbm>>
    %dma_start3A_1241 = tpu.memref_slice %arg7[%mul3A_2] : memref<4096xf32, #tpu.memory_space<hbm>> -> memref<128xf32, #tpu.memory_space<hbm>>
    tpu.enqueue_dma source(%arg14 : memref<128xf32, #tpu.memory_space<vmem>>) target(%dma_start3A_1241 : memref<128xf32, #tpu.memory_space<hbm>>) target_semaphore(%arg20 : memref<!tpu.dma_semaphore, #tpu.memory_space<semaphore_mem>>)
    %dma_wait3A_1242 = arith.constant 0 : i32
    %dma_wait3A_1243 = tpu.memref_slice %arg3[%dma_wait3A_1242] : memref<33554432xf32, #tpu.memory_space<hbm>> -> memref<33554432xf32, #tpu.memory_space<hbm>>
    tpu.wait_indirect_dma semaphore(%arg18 : memref<!tpu.dma_semaphore, #tpu.memory_space<semaphore_mem>>) src(%dma_wait3A_1243 : memref<33554432xf32, #tpu.memory_space<hbm>>) dst(%arg15 : memref<128xf32, #tpu.memory_space<vmem>>)
    %get3A_1244 = arith.constant 0 : index
    %get3A_1245 = tpu.vector_load %arg16[%get3A_1244] {strides = array<i32>} : memref<128xf32, #tpu.memory_space<vmem>>, vector<16xf32>,
    %get3A_1246 = vector.shape_cast %get3A_1245 : vector<16xf32> to vector<16xf32>
    %jit3A_1247 = arith.constant 0.000000e+00 : f32
    %jit3A_1248 = arith.constant 1.000000e+00 : f32
    %max3A_1249 = vector.broadcast %jit3A_1247 : f32 to vector<16xf32>
    %max3A_1250 = arith.maximumf %max3A_1249, %get3A_1246 : vector<16xf32>
    %min3A_1251 = vector.broadcast %jit3A_1248 : f32 to vector<16xf32>
    %min3A_1252 = arith.minimumf %min3A_1251, %max3A_1250 : vector<16xf32>
    %get3A_1253 = arith.constant 0 : index
    %get3A_1254 = tpu.vector_load %arg10[%get3A_1253] {strides = array<i32>} : memref<128xi32, #tpu.memory_space<vmem>>, vector<16xi32>,
    %get3A_1255 = vector.shape_cast %get3A_1254 : vector<16xi32> to vector<16xi32>
    %ne3A_1256 = arith.constant -100 : i32
    %ne3A_1257 = vector.broadcast %ne3A_1256 : i32 to vector<16xi32>
    %ne3A_1258 = arith.cmpi ne, %get3A_1255, %ne3A_1257 : vector<16xi32>
    %get3A_1259 = arith.constant 0 : index
    %get3A_1260 = tpu.vector_load %arg15[%get3A_1259] {strides = array<i32>} : memref<128xf32, #tpu.memory_space<vmem>>, vector<16xf32>,
    %get3A_1261 = vector.shape_cast %get3A_1260 : vector<16xf32> to vector<16xf32>
    %mul3A_1262 = arith.mulf %get3A_1261, %min3A_1252 : vector<16xf32>
    %jit3A_1263 = arith.constant 1.000000e+00 : f32
    %broadcast_in_dim3A_1264 = vector.broadcast %jit3A_1263 : f32 to vector<16xf32>
    %select_n3A_1265 = arith.select %ne3A_1258, %mul3A_1262, %broadcast_in_dim3A_1264 : vector<16xi1>, vector<16xf32>
    %swap3A_1266 = arith.constant 0 : index
    %swap3A_1267 = tpu.vector_load %arg15[%swap3A_1266] {strides = array<i32>} : memref<128xf32, #tpu.memory_space<vmem>>, vector<16xf32>,
    %swap3A_1268 = vector.shape_cast %swap3A_1267 : vector<16xf32> to vector<16xf32>
    %swap3A_1269 = vector.shape_cast %select_n3A_1265 : vector<16xf32> to vector<16xf32>
    tpu.vector_store %arg15[%swap3A_1266], %swap3A_1269 {strides = array<i32>} : memref<128xf32, #tpu.memory_space<vmem>>, vector<16xf32>,
    %get3A_1270 = arith.constant 16 : index
    %get3A_1271 = tpu.vector_load %arg16[%get3A_1270] {strides = array<i32>} : memref<128xf32, #tpu.memory_space<vmem>>, vector<16xf32>,
    %get3A_1272 = vector.shape_cast %get3A_1271 : vector<16xf32> to vector<16xf32>
    %jit3A_1273 = arith.constant 0.000000e+00 : f32
    %jit3A_1274 = arith.constant 1.000000e+00 : f32
    %max3A_1275 = vector.broadcast %jit3A_1273 : f32 to vector<16xf32>
    %max3A_1276 = arith.maximumf %max3A_1275, %get3A_1272 : vector<16xf32>
    %min3A_1277 = vector.broadcast %jit3A_1274 : f32 to vector<16xf32>
    %min3A_1278 = arith.minimumf %min3A_1277, %max3A_1276 : vector<16xf32>
    %get3A_1279 = arith.constant 16 : index
    %get3A_1280 = tpu.vector_load %arg10[%get3A_1279] {strides = array<i32>} : memref<128xi32, #tpu.memory_space<vmem>>, vector<16xi32>,
    %get3A_1281 = vector.shape_cast %get3A_1280 : vector<16xi32> to vector<16xi32>
    %ne3A_1282 = arith.constant -100 : i32
    %ne3A_1283 = vector.broadcast %ne3A_1282 : i32 to vector<16xi32>
    %ne3A_1284 = arith.cmpi ne, %get3A_1281, %ne3A_1283 : vector<16xi32>
    %get3A_1285 = arith.constant 16 : index
    %get3A_1286 = tpu.vector_load %arg15[%get3A_1285] {strides = array<i32>} : memref<128xf32, #tpu.memory_space<vmem>>, vector<16xf32>,
    %get3A_1287 = vector.shape_cast %get3A_1286 : vector<16xf32> to vector<16xf32>
    %mul3A_1288 = arith.mulf %get3A_1287, %min3A_1278 : vector<16xf32>
    %jit3A_1289 = arith.constant 1.000000e+00 : f32
    %broadcast_in_dim3A_1290 = vector.broadcast %jit3A_1289 : f32 to vector<16xf32>
    %select_n3A_1291 = arith.select %ne3A_1284, %mul3A_1288, %broadcast_in_dim3A_1290 : vector<16xi1>, vector<16xf32>
    %swap3A_1292 = arith.constant 16 : index
    %swap3A_1293 = tpu.vector_load %arg15[%swap3A_1292] {strides = array<i32>} : memref<128xf32, #tpu.memory_space<vmem>>, vector<16xf32>,
    %swap3A_1294 = vector.shape_cast %swap3A_1293 : vector<16xf32> to vector<16xf32>
    %swap3A_1295 = vector.shape_cast %select_n3A_1291 : vector<16xf32> to vector<16xf32>
    tpu.vector_store %arg15[%swap3A_1292], %swap3A_1295 {strides = array<i32>} : memref<128xf32, #tpu.memory_space<vmem>>, vector<16xf32>,
    %get3A_1296 = arith.constant 32 : index
    %get3A_1297 = tpu.vector_load %arg16[%get3A_1296] {strides = array<i32>} : memref<128xf32, #tpu.memory_space<vmem>>, vector<16xf32>,
    %get3A_1298 = vector.shape_cast %get3A_1297 : vector<16xf32> to vector<16xf32>
    %jit3A_1299 = arith.constant 0.000000e+00 : f32
    %jit3A_1300 = arith.constant 1.000000e+00 : f32
    %max3A_1301 = vector.broadcast %jit3A_1299 : f32 to vector<16xf32>
    %max3A_1302 = arith.maximumf %max3A_1301, %get3A_1298 : vector<16xf32>
    %min3A_1303 = vector.broadcast %jit3A_1300 : f32 to vector<16xf32>
    %min3A_1304 = arith.minimumf %min3A_1303, %max3A_1302 : vector<16xf32>
    %get3A_1305 = arith.constant 32 : index
    %get3A_1306 = tpu.vector_load %arg10[%get3A_1305] {strides = array<i32>} : memref<128xi32, #tpu.memory_space<vmem>>, vector<16xi32>,
    %get3A_1307 = vector.shape_cast %get3A_1306 : vector<16xi32> to vector<16xi32>
    %ne3A_1308 = arith.constant -100 : i32
    %ne3A_1309 = vector.broadcast %ne3A_1308 : i32 to vector<16xi32>
    %ne3A_1310 = arith.cmpi ne, %get3A_1307, %ne3A_1309 : vector<16xi32>
    %get3A_1311 = arith.constant 32 : index
    %get3A_1312 = tpu.vector_load %arg15[%get3A_1311] {strides = array<i32>} : memref<128xf32, #tpu.memory_space<vmem>>, vector<16xf32>,
    %get3A_1313 = vector.shape_cast %get3A_1312 : vector<16xf32> to vector<16xf32>
    %mul3A_1314 = arith.mulf %get3A_1313, %min3A_1304 : vector<16xf32>
    %jit3A_1315 = arith.constant 1.000000e+00 : f32
    %broadcast_in_dim3A_1316 = vector.broadcast %jit3A_1315 : f32 to vector<16xf32>
    %select_n3A_1317 = arith.select %ne3A_1310, %mul3A_1314, %broadcast_in_dim3A_1316 : vector<16xi1>, vector<16xf32>
    %swap3A_1318 = arith.constant 32 : index
    %swap3A_1319 = tpu.vector_load %arg15[%swap3A_1318] {strides = array<i32>} : memref<128xf32, #tpu.memory_space<vmem>>, vector<16xf32>,
    %swap3A_1320 = vector.shape_cast %swap3A_1319 : vector<16xf32> to vector<16xf32>
    %swap3A_1321 = vector.shape_cast %select_n3A_1317 : vector<16xf32> to vector<16xf32>
    tpu.vector_store %arg15[%swap3A_1318], %swap3A_1321 {strides = array<i32>} : memref<128xf32, #tpu.memory_space<vmem>>, vector<16xf32>,
    %get3A_1322 = arith.constant 48 : index
    %get3A_1323 = tpu.vector_load %arg16[%get3A_1322] {strides = array<i32>} : memref<128xf32, #tpu.memory_space<vmem>>, vector<16xf32>,
    %get3A_1324 = vector.shape_cast %get3A_1323 : vector<16xf32> to vector<16xf32>
    %jit3A_1325 = arith.constant 0.000000e+00 : f32
    %jit3A_1326 = arith.constant 1.000000e+00 : f32
    %max3A_1327 = vector.broadcast %jit3A_1325 : f32 to vector<16xf32>
    %max3A_1328 = arith.maximumf %max3A_1327, %get3A_1324 : vector<16xf32>
    %min3A_1329 = vector.broadcast %jit3A_1326 : f32 to vector<16xf32>
    %min3A_1330 = arith.minimumf %min3A_1329, %max3A_1328 : vector<16xf32>
    %get3A_1331 = arith.constant 48 : index
    %get3A_1332 = tpu.vector_load %arg10[%get3A_1331] {strides = array<i32>} : memref<128xi32, #tpu.memory_space<vmem>>, vector<16xi32>,
    %get3A_1333 = vector.shape_cast %get3A_1332 : vector<16xi32> to vector<16xi32>
    %ne3A_1334 = arith.constant -100 : i32
    %ne3A_1335 = vector.broadcast %ne3A_1334 : i32 to vector<16xi32>
    %ne3A_1336 = arith.cmpi ne, %get3A_1333, %ne3A_1335 : vector<16xi32>
    %get3A_1337 = arith.constant 48 : index
    %get3A_1338 = tpu.vector_load %arg15[%get3A_1337] {strides = array<i32>} : memref<128xf32, #tpu.memory_space<vmem>>, vector<16xf32>,
    %get3A_1339 = vector.shape_cast %get3A_1338 : vector<16xf32> to vector<16xf32>
    %mul3A_1340 = arith.mulf %get3A_1339, %min3A_1330 : vector<16xf32>
    %jit3A_1341 = arith.constant 1.000000e+00 : f32
    %broadcast_in_dim3A_1342 = vector.broadcast %jit3A_1341 : f32 to vector<16xf32>
    %select_n3A_1343 = arith.select %ne3A_1336, %mul3A_1340, %broadcast_in_dim3A_1342 : vector<16xi1>, vector<16xf32>
    %swap3A_1344 = arith.constant 48 : index
    %swap3A_1345 = tpu.vector_load %arg15[%swap3A_1344] {strides = array<i32>} : memref<128xf32, #tpu.memory_space<vmem>>, vector<16xf32>,
    %swap3A_1346 = vector.shape_cast %swap3A_1345 : vector<16xf32> to vector<16xf32>
    %swap3A_1347 = vector.shape_cast %select_n3A_1343 : vector<16xf32> to vector<16xf32>
    tpu.vector_store %arg15[%swap3A_1344], %swap3A_1347 {strides = array<i32>} : memref<128xf32, #tpu.memory_space<vmem>>, vector<16xf32>,
    %get3A_1348 = arith.constant 64 : index
    %get3A_1349 = tpu.vector_load %arg16[%get3A_1348] {strides = array<i32>} : memref<128xf32, #tpu.memory_space<vmem>>, vector<16xf32>,
    %get3A_1350 = vector.shape_cast %get3A_1349 : vector<16xf32> to vector<16xf32>
    %jit3A_1351 = arith.constant 0.000000e+00 : f32
    %jit3A_1352 = arith.constant 1.000000e+00 : f32
    %max3A_1353 = vector.broadcast %jit3A_1351 : f32 to vector<16xf32>
    %max3A_1354 = arith.maximumf %max3A_1353, %get3A_1350 : vector<16xf32>
    %min3A_1355 = vector.broadcast %jit3A_1352 : f32 to vector<16xf32>
    %min3A_1356 = arith.minimumf %min3A_1355, %max3A_1354 : vector<16xf32>
    %get3A_1357 = arith.constant 64 : index
    %get3A_1358 = tpu.vector_load %arg10[%get3A_1357] {strides = array<i32>} : memref<128xi32, #tpu.memory_space<vmem>>, vector<16xi32>,
    %get3A_1359 = vector.shape_cast %get3A_1358 : vector<16xi32> to vector<16xi32>
    %ne3A_1360 = arith.constant -100 : i32
    %ne3A_1361 = vector.broadcast %ne3A_1360 : i32 to vector<16xi32>
    %ne3A_1362 = arith.cmpi ne, %get3A_1359, %ne3A_1361 : vector<16xi32>
    %get3A_1363 = arith.constant 64 : index
    %get3A_1364 = tpu.vector_load %arg15[%get3A_1363] {strides = array<i32>} : memref<128xf32, #tpu.memory_space<vmem>>, vector<16xf32>,
    %get3A_1365 = vector.shape_cast %get3A_1364 : vector<16xf32> to vector<16xf32>
    %mul3A_1366 = arith.mulf %get3A_1365, %min3A_1356 : vector<16xf32>
    %jit3A_1367 = arith.constant 1.000000e+00 : f32
    %broadcast_in_dim3A_1368 = vector.broadcast %jit3A_1367 : f32 to vector<16xf32>
    %select_n3A_1369 = arith.select %ne3A_1362, %mul3A_1366, %broadcast_in_dim3A_1368 : vector<16xi1>, vector<16xf32>
    %swap3A_1370 = arith.constant 64 : index
    %swap3A_1371 = tpu.vector_load %arg15[%swap3A_1370] {strides = array<i32>} : memref<128xf32, #tpu.memory_space<vmem>>, vector<16xf32>,
    %swap3A_1372 = vector.shape_cast %swap3A_1371 : vector<16xf32> to vector<16xf32>
    %swap3A_1373 = vector.shape_cast %select_n3A_1369 : vector<16xf32> to vector<16xf32>
    tpu.vector_store %arg15[%swap3A_1370], %swap3A_1373 {strides = array<i32>} : memref<128xf32, #tpu.memory_space<vmem>>, vector<16xf32>,
    %get3A_1374 = arith.constant 80 : index
    %get3A_1375 = tpu.vector_load %arg16[%get3A_1374] {strides = array<i32>} : memref<128xf32, #tpu.memory_space<vmem>>, vector<16xf32>,
    %get3A_1376 = vector.shape_cast %get3A_1375 : vector<16xf32> to vector<16xf32>
    %jit3A_1377 = arith.constant 0.000000e+00 : f32
    %jit3A_1378 = arith.constant 1.000000e+00 : f32
    %max3A_1379 = vector.broadcast %jit3A_1377 : f32 to vector<16xf32>
    %max3A_1380 = arith.maximumf %max3A_1379, %get3A_1376 : vector<16xf32>
    %min3A_1381 = vector.broadcast %jit3A_1378 : f32 to vector<16xf32>
    %min3A_1382 = arith.minimumf %min3A_1381, %max3A_1380 : vector<16xf32>
    %get3A_1383 = arith.constant 80 : index
    %get3A_1384 = tpu.vector_load %arg10[%get3A_1383] {strides = array<i32>} : memref<128xi32, #tpu.memory_space<vmem>>, vector<16xi32>,
    %get3A_1385 = vector.shape_cast %get3A_1384 : vector<16xi32> to vector<16xi32>
    %ne3A_1386 = arith.constant -100 : i32
    %ne3A_1387 = vector.broadcast %ne3A_1386 : i32 to vector<16xi32>
    %ne3A_1388 = arith.cmpi ne, %get3A_1385, %ne3A_1387 : vector<16xi32>
    %get3A_1389 = arith.constant 80 : index
    %get3A_1390 = tpu.vector_load %arg15[%get3A_1389] {strides = array<i32>} : memref<128xf32, #tpu.memory_space<vmem>>, vector<16xf32>,
    %get3A_1391 = vector.shape_cast %get3A_1390 : vector<16xf32> to vector<16xf32>
    %mul3A_1392 = arith.mulf %get3A_1391, %min3A_1382 : vector<16xf32>
    %jit3A_1393 = arith.constant 1.000000e+00 : f32
    %broadcast_in_dim3A_1394 = vector.broadcast %jit3A_1393 : f32 to vector<16xf32>
    %select_n3A_1395 = arith.select %ne3A_1388, %mul3A_1392, %broadcast_in_dim3A_1394 : vector<16xi1>, vector<16xf32>
    %swap3A_1396 = arith.constant 80 : index
    %swap3A_1397 = tpu.vector_load %arg15[%swap3A_1396] {strides = array<i32>} : memref<128xf32, #tpu.memory_space<vmem>>, vector<16xf32>,
    %swap3A_1398 = vector.shape_cast %swap3A_1397 : vector<16xf32> to vector<16xf32>
    %swap3A_1399 = vector.shape_cast %select_n3A_1395 : vector<16xf32> to vector<16xf32>
    tpu.vector_store %arg15[%swap3A_1396], %swap3A_1399 {strides = array<i32>} : memref<128xf32, #tpu.memory_space<vmem>>, vector<16xf32>,
    %get3A_1400 = arith.constant 96 : index
    %get3A_1401 = tpu.vector_load %arg16[%get3A_1400] {strides = array<i32>} : memref<128xf32, #tpu.memory_space<vmem>>, vector<16xf32>,
    %get3A_1402 = vector.shape_cast %get3A_1401 : vector<16xf32> to vector<16xf32>
    %jit3A_1403 = arith.constant 0.000000e+00 : f32
    %jit3A_1404 = arith.constant 1.000000e+00 : f32
    %max3A_1405 = vector.broadcast %jit3A_1403 : f32 to vector<16xf32>
    %max3A_1406 = arith.maximumf %max3A_1405, %get3A_1402 : vector<16xf32>
    %min3A_1407 = vector.broadcast %jit3A_1404 : f32 to vector<16xf32>
    %min3A_1408 = arith.minimumf %min3A_1407, %max3A_1406 : vector<16xf32>
    %get3A_1409 = arith.constant 96 : index
    %get3A_1410 = tpu.vector_load %arg10[%get3A_1409] {strides = array<i32>} : memref<128xi32, #tpu.memory_space<vmem>>, vector<16xi32>,
    %get3A_1411 = vector.shape_cast %get3A_1410 : vector<16xi32> to vector<16xi32>
    %ne3A_1412 = arith.constant -100 : i32
    %ne3A_1413 = vector.broadcast %ne3A_1412 : i32 to vector<16xi32>
    %ne3A_1414 = arith.cmpi ne, %get3A_1411, %ne3A_1413 : vector<16xi32>
    %get3A_1415 = arith.constant 96 : index
    %get3A_1416 = tpu.vector_load %arg15[%get3A_1415] {strides = array<i32>} : memref<128xf32, #tpu.memory_space<vmem>>, vector<16xf32>,
    %get3A_1417 = vector.shape_cast %get3A_1416 : vector<16xf32> to vector<16xf32>
    %mul3A_1418 = arith.mulf %get3A_1417, %min3A_1408 : vector<16xf32>
    %jit3A_1419 = arith.constant 1.000000e+00 : f32
    %broadcast_in_dim3A_1420 = vector.broadcast %jit3A_1419 : f32 to vector<16xf32>
    %select_n3A_1421 = arith.select %ne3A_1414, %mul3A_1418, %broadcast_in_dim3A_1420 : vector<16xi1>, vector<16xf32>
    %swap3A_1422 = arith.constant 96 : index
    %swap3A_1423 = tpu.vector_load %arg15[%swap3A_1422] {strides = array<i32>} : memref<128xf32, #tpu.memory_space<vmem>>, vector<16xf32>,
    %swap3A_1424 = vector.shape_cast %swap3A_1423 : vector<16xf32> to vector<16xf32>
    %swap3A_1425 = vector.shape_cast %select_n3A_1421 : vector<16xf32> to vector<16xf32>
    tpu.vector_store %arg15[%swap3A_1422], %swap3A_1425 {strides = array<i32>} : memref<128xf32, #tpu.memory_space<vmem>>, vector<16xf32>,
    %get3A_1426 = arith.constant 112 : index
    %get3A_1427 = tpu.vector_load %arg16[%get3A_1426] {strides = array<i32>} : memref<128xf32, #tpu.memory_space<vmem>>, vector<16xf32>,
    %get3A_1428 = vector.shape_cast %get3A_1427 : vector<16xf32> to vector<16xf32>
    %jit3A_1429 = arith.constant 0.000000e+00 : f32
    %jit3A_1430 = arith.constant 1.000000e+00 : f32
    %max3A_1431 = vector.broadcast %jit3A_1429 : f32 to vector<16xf32>
    %max3A_1432 = arith.maximumf %max3A_1431, %get3A_1428 : vector<16xf32>
    %min3A_1433 = vector.broadcast %jit3A_1430 : f32 to vector<16xf32>
    %min3A_1434 = arith.minimumf %min3A_1433, %max3A_1432 : vector<16xf32>
    %get3A_1435 = arith.constant 112 : index
    %get3A_1436 = tpu.vector_load %arg10[%get3A_1435] {strides = array<i32>} : memref<128xi32, #tpu.memory_space<vmem>>, vector<16xi32>,
    %get3A_1437 = vector.shape_cast %get3A_1436 : vector<16xi32> to vector<16xi32>
    %ne3A_1438 = arith.constant -100 : i32
    %ne3A_1439 = vector.broadcast %ne3A_1438 : i32 to vector<16xi32>
    %ne3A_1440 = arith.cmpi ne, %get3A_1437, %ne3A_1439 : vector<16xi32>
    %get3A_1441 = arith.constant 112 : index
    %get3A_1442 = tpu.vector_load %arg15[%get3A_1441] {strides = array<i32>} : memref<128xf32, #tpu.memory_space<vmem>>, vector<16xf32>,
    %get3A_1443 = vector.shape_cast %get3A_1442 : vector<16xf32> to vector<16xf32>
    %mul3A_1444 = arith.mulf %get3A_1443, %min3A_1434 : vector<16xf32>
    %jit3A_1445 = arith.constant 1.000000e+00 : f32
    %broadcast_in_dim3A_1446 = vector.broadcast %jit3A_1445 : f32 to vector<16xf32>
    %select_n3A_1447 = arith.select %ne3A_1440, %mul3A_1444, %broadcast_in_dim3A_1446 : vector<16xi1>, vector<16xf32>
    %swap3A_1448 = arith.constant 112 : index
    %swap3A_1449 = tpu.vector_load %arg15[%swap3A_1448] {strides = array<i32>} : memref<128xf32, #tpu.memory_space<vmem>>, vector<16xf32>,
    %swap3A_1450 = vector.shape_cast %swap3A_1449 : vector<16xf32> to vector<16xf32>
    %swap3A_1451 = vector.shape_cast %select_n3A_1447 : vector<16xf32> to vector<16xf32>
    tpu.vector_store %arg15[%swap3A_1448], %swap3A_1451 {strides = array<i32>} : memref<128xf32, #tpu.memory_space<vmem>>, vector<16xf32>,
    %dma_start3A_1452 = tpu.memref_slice %arg8[%mul3A_2] : memref<4096xf32, #tpu.memory_space<hbm>> -> memref<128xf32, #tpu.memory_space<hbm>>
    %dma_start3A_1453 = tpu.memref_slice %arg8[%mul3A_2] : memref<4096xf32, #tpu.memory_space<hbm>> -> memref<128xf32, #tpu.memory_space<hbm>>
    tpu.enqueue_dma source(%arg15 : memref<128xf32, #tpu.memory_space<vmem>>) target(%dma_start3A_1453 : memref<128xf32, #tpu.memory_space<hbm>>) target_semaphore(%arg21 : memref<!tpu.dma_semaphore, #tpu.memory_space<semaphore_mem>>)
    %dma_wait3A_1454 = tpu.memref_slice %arg7[%mul3A_2] : memref<4096xf32, #tpu.memory_space<hbm>> -> memref<128xf32, #tpu.memory_space<hbm>>
    %dma_wait3A_1455 = tpu.memref_slice %arg7[%mul3A_2] : memref<4096xf32, #tpu.memory_space<hbm>> -> memref<128xf32, #tpu.memory_space<hbm>>
    tpu.wait_dma2 semaphore(%arg20 : memref<!tpu.dma_semaphore, #tpu.memory_space<semaphore_mem>>) src(%arg14 : memref<128xf32, #tpu.memory_space<vmem>>) dst(%dma_wait3A_1455 : memref<128xf32, #tpu.memory_space<hbm>>)
    %dma_wait3A_1456 = tpu.memref_slice %arg8[%mul3A_2] : memref<4096xf32, #tpu.memory_space<hbm>> -> memref<128xf32, #tpu.memory_space<hbm>>
    %dma_wait3A_1457 = tpu.memref_slice %arg8[%mul3A_2] : memref<4096xf32, #tpu.memory_space<hbm>> -> memref<128xf32, #tpu.memory_space<hbm>>
    tpu.wait_dma2 semaphore(%arg21 : memref<!tpu.dma_semaphore, #tpu.memory_space<semaphore_mem>>) src(%arg15 : memref<128xf32, #tpu.memory_space<vmem>>) dst(%dma_wait3A_1457 : memref<128xf32, #tpu.memory_space<hbm>>)
    return
  }
}

module attributes {stable_mosaic.version = 14 : i64} {
  func.func @_tc_loss_body(%arg0: memref<4096xf32, #tpu.memory_space<vmem>>, %arg1: memref<4096xf32, #tpu.memory_space<vmem>>, %arg2: memref<4x1024xi32, #tpu.memory_space<vmem>>, %arg3: memref<4x1024xi32, #tpu.memory_space<vmem>>, %arg4: memref<1x1xf32, #tpu.memory_space<smem>>) attributes {dimension_semantics = [], scalar_prefetch = 0 : i64, scratch_operands = 0 : i64, tpu.core_type = #tpu.core_type<tc>} {
    %get3A = arith.constant 0 : index
    %get3A_0 = arith.constant 0 : index
    %get3A_1 = vector.load %arg2[%get3A, %get3A_0] : memref<4x1024xi32, #tpu.memory_space<vmem>>, vector<4x1024xi32>
    %ne3A = arith.constant -100 : i32
    %ne3A_2 = vector.broadcast %ne3A : i32 to vector<4x1024xi32>
    %ne3A_3 = arith.cmpi ne, %get3A_1, %ne3A_2 : vector<4x1024xi32>
    %convert_element_type3A = arith.extui %ne3A_3 : vector<4x1024xi1> to vector<4x1024xi32>
    %convert_element_type3A_4 = arith.sitofp %convert_element_type3A : vector<4x1024xi32> to vector<4x1024xf32>
    %reduce_sum3A = vector.shape_cast %convert_element_type3A_4 : vector<4x1024xf32> to vector<1x4x1024xf32>
    %reduce_sum3A_5 = arith.constant dense<0.000000e+00> : vector<1xf32>
    %reduce_sum3A_6 = vector.multi_reduction <add>, %reduce_sum3A, %reduce_sum3A_5 [1, 2] : vector<1x4x1024xf32> to vector<1xf32>
    %reduce_sum3A_7 = vector.shape_cast %reduce_sum3A_6 : vector<1xf32> to vector<1x1x1xf32>
    %reduce_sum3A_8 = vector.extract %reduce_sum3A_7[0, 0, 0] : f32 from vector<1x1x1xf32>
    %max3A = arith.constant 1.000000e+00 : f32
    %max3A_9 = arith.maximumf %reduce_sum3A_8, %max3A : f32
    %get3A_10 = arith.constant 0 : index
    %get3A_11 = arith.constant 0 : index
    %get3A_12 = vector.load %arg3[%get3A_10, %get3A_11] : memref<4x1024xi32, #tpu.memory_space<vmem>>, vector<4x1024xi32>
    %ne3A_13 = arith.constant -100 : i32
    %ne3A_14 = vector.broadcast %ne3A_13 : i32 to vector<4x1024xi32>
    %ne3A_15 = arith.cmpi ne, %get3A_12, %ne3A_14 : vector<4x1024xi32>
    %convert_element_type3A_16 = arith.extui %ne3A_15 : vector<4x1024xi1> to vector<4x1024xi32>
    %convert_element_type3A_17 = arith.sitofp %convert_element_type3A_16 : vector<4x1024xi32> to vector<4x1024xf32>
    %reduce_sum3A_18 = vector.shape_cast %convert_element_type3A_17 : vector<4x1024xf32> to vector<1x4x1024xf32>
    %reduce_sum3A_19 = arith.constant dense<0.000000e+00> : vector<1xf32>
    %reduce_sum3A_20 = vector.multi_reduction <add>, %reduce_sum3A_18, %reduce_sum3A_19 [1, 2] : vector<1x4x1024xf32> to vector<1xf32>
    %reduce_sum3A_21 = vector.shape_cast %reduce_sum3A_20 : vector<1xf32> to vector<1x1x1xf32>
    %reduce_sum3A_22 = vector.extract %reduce_sum3A_21[0, 0, 0] : f32 from vector<1x1x1xf32>
    %max3A_23 = arith.constant 1.000000e+00 : f32
    %max3A_24 = arith.maximumf %reduce_sum3A_22, %max3A_23 : f32
    %get3A_25 = arith.constant 0 : index
    %get3A_26 = vector.load %arg0[%get3A_25] : memref<4096xf32, #tpu.memory_space<vmem>>, vector<4096xf32>
    %log3A = math.log %get3A_26 : vector<4096xf32>
    %neg3A = arith.constant 0.000000e+00 : f32
    %neg3A_27 = vector.broadcast %neg3A : f32 to vector<4096xf32>
    %neg3A_28 = arith.subf %neg3A_27, %log3A : vector<4096xf32>
    %reduce_sum3A_29 = vector.shape_cast %neg3A_28 : vector<4096xf32> to vector<1x4096xf32>
    %reduce_sum3A_30 = arith.constant dense<0.000000e+00> : vector<1xf32>
    %reduce_sum3A_31 = vector.multi_reduction <add>, %reduce_sum3A_29, %reduce_sum3A_30 [1] : vector<1x4096xf32> to vector<1xf32>
    %reduce_sum3A_32 = vector.shape_cast %reduce_sum3A_31 : vector<1xf32> to vector<1x1xf32>
    %reduce_sum3A_33 = vector.extract %reduce_sum3A_32[0, 0] : f32 from vector<1x1xf32>
    %get3A_34 = arith.constant 0 : index
    %get3A_35 = vector.load %arg1[%get3A_34] : memref<4096xf32, #tpu.memory_space<vmem>>, vector<4096xf32>
    %log3A_36 = math.log %get3A_35 : vector<4096xf32>
    %neg3A_37 = arith.constant 0.000000e+00 : f32
    %neg3A_38 = vector.broadcast %neg3A_37 : f32 to vector<4096xf32>
    %neg3A_39 = arith.subf %neg3A_38, %log3A_36 : vector<4096xf32>
    %reduce_sum3A_40 = vector.shape_cast %neg3A_39 : vector<4096xf32> to vector<1x4096xf32>
    %reduce_sum3A_41 = arith.constant dense<0.000000e+00> : vector<1xf32>
    %reduce_sum3A_42 = vector.multi_reduction <add>, %reduce_sum3A_40, %reduce_sum3A_41 [1] : vector<1x4096xf32> to vector<1xf32>
    %reduce_sum3A_43 = vector.shape_cast %reduce_sum3A_42 : vector<1xf32> to vector<1x1xf32>
    %reduce_sum3A_44 = vector.extract %reduce_sum3A_43[0, 0] : f32 from vector<1x1xf32>
    %div3A = arith.divf %reduce_sum3A_33, %max3A_9 : f32
    %div3A_45 = arith.divf %reduce_sum3A_44, %max3A_24 : f32
    %add3A = arith.addf %div3A, %div3A_45 : f32
    %swap3A = arith.constant 0 : index
    %swap3A_46 = arith.constant 0 : index
    %swap3A_47 = memref.load %arg4[%swap3A, %swap3A_46] : memref<1x1xf32, #tpu.memory_space<smem>>
    memref.store %add3A, %arg4[%swap3A, %swap3A_46] : memref<1x1xf32, #tpu.memory_space<smem>>
    return
  }
}

</mosaic_0001>

<sc_bundles>
// kernel: kernel.4.cloned.1.call-start
scs
__scs_entry_jumppad:
0x0: {  	(pc) =	sbr.rel $0x88, $3  }
0x1: {  	(tag) =	ssettag $0x0;
	lr =	simm.s32 $0x1  }
0x2: {  	[smem:$0x3F9C] =	sst lr;
	_ =	strace $0xD0000000  }
0x3: {  	_ = 	snop  }
0x4: {  	_ = 	snop  }
0x5: {  	_ = 	snop  }
0x6: {  	_ = 	snop  }
0x7: {  	_ = 	snop  }
__scs_overlays_trampoline_lowered:
0x8: {  	[smem:$0x3FAB] =	sst s0  }
0x9: {  	[smem:$0x3FAC] =	sst s1  }
0xa: {  	[smem:$0x3FAD] =	sst s2  }
0xb: {  	[smem:$0x3FAE] =	sst s3  }
0xc: {  	[smem:$0x3FAF] =	sst s4  }
0xd: {  	[smem:$0x3FB0] =	sst s5  }
0xe: {  	[smem:$0x3FB1] =	sst s6  }
0xf: {  	[smem:$0x3FB2] =	sst s7  }
0x10: {  	[smem:$0x3FB3] =	sst s8  }
0x11: {  	[smem:$0x3FB4] =	sst s9;
	s0 =	simm.s32 @!p0 $0x0  }
0x12: {  	s1 =	sld [smem:$0x3F9A];
	s0 =	simm.s32 @p0 $0x1  }
0x13: {  	[smem:$0x3FB5] =	sst s0;
	s0 =	simm.s32 @!p1 $0x0  }
0x14: {  	s2 =	sld [smem:$0x3F99];
	s0 =	simm.s32 @p1 $0x1  }
0x15: {  	[smem:$0x3FB6] =	sst s0;
	s0 =	simm.s32 @!p2 $0x0  }
0x16: {  	s3 =	sld [smem:$0x3FDB];
	s0 =	simm.s32 @p2 $0x1  }
0x17: {  	s4 =	simm.s32 $0x1BF5;
	[smem:$0x3FB8] =	sst s0  }
0x18: {  	s0 =	sld [smem:$0x3F9B];
	_ =	swait.ge [sflag:s4], $0x0  }
0x19: {  	s7 =	sld [smem:$0x3F9C]  }
0x1a: {  	s8 =	sadd.s32 $0xFFFFE003, lr  }
0x1b: {  	s9 =	sadd.s32 $0xFFFFFEF7, lr;
	s5 =	simm.s32 $0xFFFFFFFF;
	p2 =	slt.u32 s8, $0xFFFFF086  }
0x1c: {  	p1 =	slt.u32 s9, $0xF7A;
	s5 =	simm.s32 @!p2 $0x0  }
0x1d: {  	s5 =	simm.s32 @p1 $0x1;
	p0 =	seq.s32 s7, s2  }
0x1e: {  	s7 =	smul.u32 @!p0 $0xF7A, s2;
	p2 =	seq.s32 @!p0 s5, $0x0  }
0x1f: {  	s9 =	smul.u32 $0xF7A, s1;
	s8 =	simm.s32 @!p0 $0x1BF5;
	p2 =	por !p2, p0  }
0x20: {  	[sflag:s8] =	ssyncset.s32 @!p0 $0xFFFFF086;
	s6 =	sadd.s32 @!p0 s3, s7;
	s7 =	simm.s32 @!p0 $0x108  }
0x21: {  	s3 =	sadd.s32 s3, s9;
	s6 =	sadd.s32 @!p0 $0x88, s6;
	s7 =	simm.s32 @p2 $0x1082  }
0x22: {  	[simem:s7], [sflag:s8] =	dma.local @!p0 [hbm:s6], $0xF7A  }
0x23: {  	s9 =	sor.u32 $0xD0000000, s2;
	s6 =	simm.s32 $0x108;
	_ =	swait.ge @!p0 [sflag:s8], $0x0  }
0x24: {  	s3 =	sadd.s32 $0x88, s3;
	s6 =	simm.s32 @!p1 $0x1082;
	[sflag:s4] =	ssyncset.s32 $0xFFFFF086  }
0x25: {  	[simem:s6], [sflag:s4] =	dma.local [hbm:s3], $0xF7A  }
0x26: {  	[smem:$0x3F9C] =	sst s1;
	(tag) =	ssettag s2;
	_ =	strace s9  }
0x27: {  	s1 =	sld [smem:$0x3FAC]  }
0x28: {  	s2 =	sld [smem:$0x3FAD]  }
0x29: {  	s4 =	sld [smem:$0x3FAF]  }
0x2a: {  	p0 =	seq.s32 s5, $0x0;
	s5 =	sld [smem:$0x3FB0]  }
0x2b: {  	s6 =	sld [smem:$0x3FB1]  }
0x2c: {  	s7 =	sld [smem:$0x3FB2]  }
0x2d: {  	s3 =	simm.s32 $0x108;
	s8 =	sld [smem:$0x3FB3]  }
0x2e: {  	s3 =	simm.s32 @!p0 $0x1082;
	s9 =	sld [smem:$0x3FB4]  }
0x2f: {  	lr =	sadd.s32 s0, s3;
	s0 =	sld [smem:$0x3FAB]  }
0x30: {  	s3 =	sld [smem:$0x3FAE]  }
0x31: {  	[smem:$0x3FB7] =	sst s10  }
0x32: {  	s10 =	sld [smem:$0x3FB5];
	_ =	sdelay $0x3  }
0x33: {  	p0 =	seq.s32 s10, $0x1;
	s10 =	sld [smem:$0x3FB7];
	_ =	sdelay $0x3  }
0x34: {  	[smem:$0x3FB7] =	sst s10  }
0x35: {  	s10 =	sld [smem:$0x3FB6];
	_ =	sdelay $0x3  }
0x36: {  	p1 =	seq.s32 s10, $0x1;
	s10 =	sld [smem:$0x3FB7];
	_ =	sdelay $0x3  }
0x37: {  	[smem:$0x3FB7] =	sst s10  }
0x38: {  	s10 =	sld [smem:$0x3FB8]  }
0x39: {  	_ = 	snop;
	(pc) =	sbr.ind lr, $3  }
0x3a: {  	_ = 	snop  }
0x3b: {  	_ = 	snop  }
0x3c: {  	p2 =	seq.s32 s10, $0x1;
	s10 =	sld [smem:$0x3FB7]  }
0x3d: {  	_ =	shalt  }
0x3e: {  	_ =	shalt  }
0x3f: {  	_ =	shalt  }
0x40: {  	_ =	shalt  }
0x41: {  	_ =	shalt  }
0x42: {  	_ =	shalt  }
0x43: {  	_ =	shalt  }
0x44: {  	_ =	shalt  }
0x45: {  	_ =	shalt  }
0x46: {  	_ =	shalt  }
0x47: {  	_ =	shalt  }
0x48: {  	_ =	shalt  }
0x49: {  	_ =	shalt  }
0x4a: {  	_ =	shalt  }
0x4b: {  	_ =	shalt  }
0x4c: {  	_ =	shalt  }
0x4d: {  	_ =	shalt  }
0x4e: {  	_ =	shalt  }
0x4f: {  	_ =	shalt  }
0x50: {  	_ =	shalt  }
0x51: {  	_ =	shalt  }
0x52: {  	_ =	shalt  }
0x53: {  	_ =	shalt  }
0x54: {  	_ =	shalt  }
0x55: {  	_ =	shalt  }
0x56: {  	_ =	shalt  }
0x57: {  	_ =	shalt  }
0x58: {  	_ =	shalt  }
0x59: {  	_ =	shalt  }
0x5a: {  	_ =	shalt  }
0x5b: {  	_ =	shalt  }
0x5c: {  	_ =	shalt  }
0x5d: {  	_ =	shalt  }
0x5e: {  	_ =	shalt  }
0x5f: {  	_ =	shalt  }
0x60: {  	_ =	shalt  }
0x61: {  	_ =	shalt  }
0x62: {  	_ =	shalt  }
0x63: {  	_ =	shalt  }
0x64: {  	_ =	shalt  }
0x65: {  	_ =	shalt  }
0x66: {  	_ =	shalt  }
0x67: {  	_ =	shalt  }
0x68: {  	_ =	shalt  }
0x69: {  	_ =	shalt  }
0x6a: {  	_ =	shalt  }
0x6b: {  	_ =	shalt  }
0x6c: {  	_ =	shalt  }
0x6d: {  	_ =	shalt  }
0x6e: {  	_ =	shalt  }
0x6f: {  	_ =	shalt  }
0x70: {  	_ =	shalt  }
0x71: {  	_ =	shalt  }
0x72: {  	_ =	shalt  }
0x73: {  	_ =	shalt  }
0x74: {  	_ =	shalt  }
0x75: {  	_ =	shalt  }
0x76: {  	_ =	shalt  }
0x77: {  	_ =	shalt  }
0x78: {  	_ =	shalt  }
0x79: {  	_ =	shalt  }
0x7a: {  	_ =	shalt  }
0x7b: {  	_ =	shalt  }
0x7c: {  	_ =	shalt  }
0x7d: {  	_ =	shalt  }
0x7e: {  	_ =	shalt  }
0x7f: {  	_ =	shalt  }
0x80: {  	_ =	shalt  }
0x81: {  	_ =	shalt  }
0x82: {  	_ =	shalt  }
0x83: {  	_ =	shalt  }
0x84: {  	_ =	shalt  }
0x85: {  	_ =	shalt  }
0x86: {  	_ =	shalt  }
0x87: {  	_ =	shalt  }
.Lfunc_end0:
.L_simem_size_0:
called_computation_lowered:
.L_overlay_start_0:
0x88: {  	s2 =	sld [smem:$0x3FD9]  }
0x89: {  	s3 =	sld [smem:$0x3FFE];
	_ =	sdelay $0x1  }
0x8a: {  	s1 =	srdreg.scid  }
0x8b: {  	s0 =	sand.u32 $0x1, s1  }
0x8c: {  	s17 =	sshll.u32 s0, $0xA;
	s2 =	sadd.s32 s3, s2  }
0x8d: {  	s2 =	sadd.s32 s2, s17  }
0x8e: {  	[smem:$0x3FC3] =	sst s2  }
0x8f: {  	_ = 	snop  }
0x90: {  	s2 =	sld [smem:$0x3FC9]  }
0x91: {  	s18 =	sld [smem:$0x3FC8]  }
0x92: {  	s4 =	sld [smem:$0x3FC5];
	(tm) =	ssettm $0x1  }
0x93: {  	s5 =	sld [smem:$0x3FFB];
	_ =	sdelay $0x3  }
0x94: {  	_ =	strace s5  }
0x95: {  	s5 =	sld [smem:$0x3FFC];
	_ =	sdelay $0x3  }
0x96: {  	_ =	strace s5  }
0x97: {  	s5 =	sld [smem:$0x3FFD];
	_ =	sdelay $0x3  }
0x98: {  	_ =	strace s5  }
0x99: {  	_ =	strace $0x8FFFFFFF  }
0x9a: {  	s19 =	sld [smem:$0x3FDB];
	_ =	sdelay $0x1  }
0x9b: {  	s6 =	simm.s32 $_scs_section_size  }
0x9c: {  	s7 =	simm.s32 $_size__tile_overlayer_lowered;
	s8 =	simm.s32 $_tile_overlayer_lowered  }
0x9d: {  	s22 =	simm.s32 $0x1BFF;
	s21 =	sshll.u32 s8, $0x1;
	s5 =	sadd.s32 s6, s19  }
0x9e: {  	s9 =	simm.s32 $0x0;
	s20 =	sshll.u32 s7, $0x1;
	s7 =	sadd.s32 s21, s5  }
0x9f: {  	[timem:s9], [sflag:s22] =	dma.local [hbm:s7], s20  }
0xa0: {  	_ =	swait.ge [sflag:s22], s20  }
0xa1: {  	s6 =	ssub.s32 $0x0, s20;
	[sflag:s22] =	ssyncset.done $0x0  }
0xa2: {  	[sflag:s22] =	ssyncadd.s32 s6;
	_ =	sdelay $0x1  }
0xa3: {  	s23 =	simm.s32 $0x1B8B  }
0xa4: {  	_ =	swait.ge [sflag:s23], $0x1  }
0xa5: {  	[sflag:s23] =	ssyncset.done $0x0  }
0xa6: {  	s25 =	simm.s32 $0x1B8E;
	s24 =	sld [smem:$0x3FFE];
	[sflag:s23] =	ssyncadd.s32 $0xFFFFFFFF  }
0xa7: {  	s26 =	simm.s32 $execute0_lowered;
	[smem:$0x3FD2] =	sst s25  }
0xa8: {  	s7 =	sshll.u32 s26, $0x1;
	_ =	strace $0x80000046;
	[dreg:$0x1] =	wrdreg $0xFFFFFFFF  }
0xa9: {  	s28 =	simm.s32 $_size_execute0_lowered;
	s5 =	sadd.s32 s5, s7;
	[dreg:$0x0] =	wrdreg $0x0  }
0xaa: {  	s7 =	sshll.u32 s28, $0x1;
	[dreg:$0x2] =	wrdreg s5  }
0xab: {  	[dreg:$0x3] =	wrdreg s7  }
0xac: {  	[dreg:$0x4] =	wrdreg $0xC0  }
0xad: {  	_ =	task [dreg:s9], $0x5FFFF  }
0xae: {  	[dreg:$0x1] =	wrdreg $0xFFFFFFFF  }
0xaf: {  	[dreg:$0x0] =	wrdreg $0x60  }
0xb0: {  	[dreg:$0x2] =	wrdreg s2  }
0xb1: {  	[dreg:$0x3] =	wrdreg s18  }
0xb2: {  	[dreg:$0x4] =	wrdreg s4  }
0xb3: {  	[dreg:$0x5] =	wrdreg s24  }
0xb4: {  	[dreg:$0x6] =	wrdreg $0x9  }
0xb5: {  	_ =	task.clear_ibuf [dreg:s9], $0x7FFFF;
	_ =	strace $0x90000046  }
0xb6: {  	s29 =	simm.s32 $0x9;
	_ =	strace $0x80000048  }
0xb7: {  	_ =	swait.ge [sflag:s29], $0x1  }
0xb8: {  	[sflag:s29] =	ssyncadd.s32 $0xFFFFFFFF  }
0xb9: {  	_ =	strace $0x90000048  }
0xba: {  	_ =	sfence  }
0xbb: {  	s30 =	sld [smem:$0x0];
	_ =	sdelay $0x2  }
0xbc: {  	s31 =	sshll.u32 s1, $0xD;
	s1 =	sshrl.u32 s1, $0x2  }
0xbd: {  	s3 =	sand.u32 $0x4000, s31;
	s1 =	sadd.s32 s1, s30  }
0xbe: {  	s0 =	sor.u32 s3, s0;
	s1 =	sshll.u32 s1, $0x11  }
0xbf: {  	s0 =	sor.u32 s1, s0  }
0xc0: {  	s0 =	sadd.s32 $0x8F2B, s0  }
0xc1: {  	[sflag:s0] =	ssyncadd.remote.s32 $0x1  }
0xc2: {  	_ =	sfence.sel $0xFFFF  }
0xc3: {  	[dreg:$0x0] =	wrdreg $0xFFFFFFFF;
	(pc) =	sbr.abs _section_cstart, $3  }
0xc4: {  	[dreg:$0x1] =	wrdreg $0xFFFFFFFF  }
0xc5: {  	_ =	task.clear_ibuf [dreg:s9], $0x2FFFF;
	_ =	strace $0x9FFFFFFF  }
0xc6: {  	(tm) =	ssettm $0x7FFFFFFF  }
0xc7: {  	_ =	shalt  }
tec
execute0_lowered:
.L_overlay_start_1:
0x0: {  	(tag) =	ssettag $0x1  }
0x1: {  	s1 =	srdreg.scid  }
0x2: {  	s0 =	stileid.u32;
	s6 =	sand.u32 $0x1, s1  }
0x3: {  	v0 =	vlaneseq.u32;
	s26 =	sshll.u32 s0, $0x8;
	s2 =	sshll.u32 s6, $0x7  }
0x4: {  	v5 =	vmul.u32 $0x2000, v0;
	v0 =	vand.u32 $0x7, v0;
	s8 =	sor.u32 s2, s26  }
0x5: {  	v7 =	vmul.u32 $0x80, v0;
	s2 =	sor.u32 $0x10, s8;
	v1 =	vmov s8;
	s10 =	sor.u32 $0x30, s8  }
0x6: {  	s11 =	sor.u32 $0x40, s8;
	s31 =	sor.u32 $0x50, s8;
	s12 =	sor.u32 $0x60, s8;
	v2 =	vmov s2;
	v1 =	vshll.u32 v1, $0xD;
	v3 =	vmov s10  }
0x7: {  	s9 =	sor.u32 $0x20, s8;
	s28 =	sshrl.u32 s8, $0x3;
	s8 =	sor.u32 $0x70, s8;
	v4 =	vmov s11;
	v6 =	vmov s31;
	v8 =	vmov s12  }
0x8: {  	s3 =	rddreg [dreg:$0x2];
	v9 =	vmov s8;
	v2 =	vshll.u32 v2, $0xD;
	v1 =	vor.u32 v5, v1  }
0x9: {  	s7 =	rddreg [dreg:$0x3];
	v3 =	vshll.u32 v3, $0xD;
	v4 =	vshll.u32 v4, $0xD;
	v6 =	vshll.u32 v6, $0xD  }
0xa: {  	s4 =	rddreg [dreg:$0x4];
	s5 =	simm.s32 $0x0;
	s13 =	simm.s32 $0x100;
	v8 =	vshll.u32 v8, $0xD;
	v9 =	vshll.u32 v9, $0xD;
	v0 =	vor.u32 v5, v2  }
0xb: {  	s14 =	simm.s32 $0x280;
	s15 =	simm.s32 $0x5;
	s16 =	simm.s32 $0x200;
	v1 =	vand.u32 $0x7FF10000, v1;
	v3 =	vor.u32 v5, v3;
	v4 =	vor.u32 v5, v4  }
0xc: {  	s17 =	simm.s32 $0x380;
	s18 =	simm.s32 $0x180;
	s19 =	simm.s32 $0x300;
	v6 =	vor.u32 v5, v6;
	v8 =	vor.u32 v5, v8;
	v2 =	vand.u32 $0x7FFF0000, v0  }
0xd: {  	s20 =	simm.s32 $0x1;
	s1 =	rddreg [dreg:$0x0];
	s6 =	ssub.s32 $0x2, s6;
	v0 =	vor.u32 v7, v1;
	v3 =	vand.u32 $0x7FFF0000, v3;
	v4 =	vand.u32 $0x7FFF0000, v4  }
0xe: {  	s21 =	simm.s32 $0x3;
	[smem:$0x7FF] =	sst s5;
	s29 =	sshrl.u32 s6, $0x1;
	v6 =	vand.u32 $0x7FFF0000, v6;
	v1 =	vor.u32 v7, v2;
	v2 =	vmov s9  }
0xf: {  	s22 =	simm.s32 $0x2;
	s30 =	ssub.s32 s6, s29;
	s2 =	rddreg [dreg:$0x1];
	v8 =	vand.u32 $0x7FFF0000, v8;
	v3 =	vor.u32 v7, v3;
	v2 =	vshll.u32 v2, $0xD  }
0x10: {  	_ =	strace $0x80000047;
	s10 =	smax.u32 s30, $0x1;
	s9 =	sadd.s32 s28, s7;
	v4 =	vor.u32 v7, v4;
	v2 =	vor.u32 v5, v2;
	v5 =	vor.u32 v5, v9  }
0x11: {  	s11 =	simm.s32 $0x80;
	s12 =	simm.s32 $0x4;
	s6 =	sadd.s32 $0x1400, s9;
	v2 =	vand.u32 $0x7FFF0000, v2;
	v9 =	vand.u32 $0x7FFF0000, v5;
	v5 =	vor.u32 v7, v6  }
0x12: {  	s7 =	sadd.s32 $0x1200, s9;
	s8 =	sadd.s32 $0x1600, s9;
	s9 =	sadd.s32 $0x1800, s9;
	v6 =	vor.u32 v7, v8;
	v2 =	vor.u32 v7, v2;
	v7 =	vor.u32 v7, v9  }
.LBB2_1:
0x13: {  	[tilespmem:s5], [sflag:$0x4] =	stream.linear.gather [hbm4b:s6+s5], $0x80, $0x38;
	[tilespmem:$0x400] =	vst v63  }
0x14: {  	_ = 	snop  }
0x15: {  	[tilespmem:s11], [sflag:$0x5] =	stream.linear.gather [hbm4b:s7+s5], $0x80, $0x38;
	[tilespmem:$0x400] =	vst v63  }
0x16: {  	_ =	swait.ge [sflag:s12], $0x80  }
0x17: {  	[sflag:s12] =	ssyncset.done $0x0  }
0x18: {  	[sflag:s12] =	ssyncadd.s32 $0xFFFFFF80  }
0x19: {  	v8 =	vld [tilespmem:$0x0]  }
0x1a: {  	v9 =	vld [tilespmem:$0x10]  }
0x1b: {  	v10 =	vld [tilespmem:$0x20]  }
0x1c: {  	v12 =	vld [tilespmem:$0x30]  }
0x1d: {  	v14 =	vld [tilespmem:$0x40]  }
0x1e: {  	v15 =	vld [tilespmem:$0x50]  }
0x1f: {  	v16 =	vld [tilespmem:$0x60]  }
0x20: {  	v41 =	vld [tilespmem:$0x70];
	_ =	sdelay $0x1  }
0x21: {  	vm0 =	veq.s32 v8, $0xFFFFFF9C  }
0x22: {  	vm6 =	veq.s32 v9, $0xFFFFFF9C;
	vm7 =	veq.s32 v10, $0xFFFFFF9C;
	vm8 =	veq.s32 v12, $0xFFFFFF9C  }
0x23: {  	vm9 =	veq.s32 v14, $0xFFFFFF9C;
	vm10 =	veq.s32 v15, $0xFFFFFF9C;
	vm11 =	veq.s32 v16, $0xFFFFFF9C  }
0x24: {  	vm12 =	veq.s32 v41, $0xFFFFFF9C;
	v8 =	vsel vm0, $0x0, v8;
	v9 =	vsel vm6, $0x0, v9  }
0x25: {  	v10 =	vsel vm7, $0x0, v10;
	v12 =	vsel vm8, $0x0, v12;
	v40 =	vsel vm9, $0x0, v14  }
0x26: {  	v15 =	vsel vm10, $0x0, v15;
	v46 =	vsel vm11, $0x0, v16;
	v14 =	vsel vm12, $0x0, v41  }
0x27: {  	v11 =	vshll.u32 v8, $0x3;
	v8 =	vand.u32 $0x7F, v8;
	v13 =	vshll.u32 v9, $0x3  }
0x28: {  	v36 =	vshll.u32 v10, $0x3;
	v9 =	vand.u32 $0x7F, v9;
	v38 =	vshll.u32 v12, $0x3  }
0x29: {  	v10 =	vand.u32 $0x7F, v10;
	v12 =	vand.u32 $0x7F, v12;
	v17 =	vshll.u32 v40, $0x3  }
0x2a: {  	v43 =	vshll.u32 v15, $0x3;
	v47 =	vand.u32 $0x7F, v15;
	v48 =	vshll.u32 v46, $0x3  }
0x2b: {  	v50 =	vshll.u32 v14, $0x3;
	v51 =	vand.u32 $0x7F, v46;
	v11 =	vand.u32 $0xFFFFFC00, v11  }
0x2c: {  	v35 =	vand.u32 $0xFFFFFC00, v13;
	v13 =	vand.u32 $0xFFFFFC00, v36;
	v11 =	vadd.s32 v0, v11  }
0x2d: {  	v42 =	vand.u32 $0xFFFFFC00, v17;
	v37 =	vadd.s32 v2, v13;
	v8 =	vor.u32 v8, v11  }
0x2e: {  	v13 =	vand.u32 $0xFFFFFC00, v38;
	v11 =	vadd.s32 v1, v35;
	v10 =	vor.u32 v10, v37;
	[tilespmem:$0x100] =	vst v8  }
0x2f: {  	v44 =	vand.u32 $0xFFFFFC00, v43;
	v39 =	vadd.s32 v3, v13;
	v9 =	vor.u32 v9, v11;
	[tilespmem:$0x120] =	vst v10  }
0x30: {  	v13 =	vand.u32 $0x7F, v40;
	v11 =	vor.u32 v12, v39;
	v12 =	vadd.s32 v4, v42;
	[tilespmem:$0x110] =	vst v9  }
0x31: {  	v49 =	vand.u32 $0xFFFFFC00, v48;
	v45 =	vadd.s32 v5, v44;
	v8 =	vor.u32 v13, v12;
	[tilespmem:$0x130] =	vst v11  }
0x32: {  	v9 =	vor.u32 v47, v45;
	v11 =	vand.u32 $0xFFFFFC00, v50;
	[tilespmem:$0x140] =	vst v8;
	v8 =	vadd.s32 v6, v49  }
0x33: {  	v53 =	vand.u32 $0x7F, v14;
	[tilespmem:$0x150] =	vst v9;
	v52 =	vadd.s32 v7, v11;
	v8 =	vor.u32 v51, v8  }
0x34: {  	[tilespmem:$0x160] =	vst v8;
	v8 =	vor.u32 v53, v52  }
0x35: {  	[tilespmem:$0x170] =	vst v8  }
0x36: {  	[tilespmem:s14], [sflag:$0x1] =	stream.indirect.gather [hbm4b:s1+s11], $0x1, s13, s11, $0xb8;
	[tilespmem:$0x400] =	vst v63  }
0x37: {  	_ =	swait.ge [sflag:s15], $0x80  }
0x38: {  	[sflag:s15] =	ssyncset.done $0x0  }
0x39: {  	[sflag:s15] =	ssyncadd.s32 $0xFFFFFF80  }
0x3a: {  	v8 =	vld [tilespmem:$0x0]  }
0x3b: {  	v54 =	vld [tilespmem:$0x80]  }
0x3c: {  	v55 =	vld [tilespmem:$0x10]  }
0x3d: {  	v56 =	vld [tilespmem:$0x90]  }
0x3e: {  	v59 =	vld [tilespmem:$0x20]  }
0x3f: {  	v60 =	vld [tilespmem:$0xA0]  }
0x40: {  	v63 =	vld [tilespmem:$0x30]  }
0x41: {  	v20 =	vld [tilespmem:$0xB0]  }
0x42: {  	v26 =	vld [tilespmem:$0x40]  }
0x43: {  	v28 =	vld [tilespmem:$0xC0]  }
0x44: {  	v31 =	vld [tilespmem:$0x50]  }
0x45: {  	v18 =	vld [tilespmem:$0xD0]  }
0x46: {  	v34 =	vld [tilespmem:$0x60]  }
0x47: {  	vm13 =	veq.s32 v8, $0xFFFFFF9C;
	vm1 =	veq.s32 v54, $0xFFFFFF9C;
	vm14 =	veq.s32 v55, $0xFFFFFF9C  }
0x48: {  	v19 =	vld [tilespmem:$0xE0];
	vm15 =	veq.s32 v56, $0xFFFFFF9C;
	vm4 =	veq.s32 v59, $0xFFFFFF9C;
	vm5 =	veq.s32 v60, $0xFFFFFF9C  }
0x49: {  	v40 =	vld [tilespmem:$0x70];
	vm6 =	veq.s32 v63, $0xFFFFFF9C;
	vm7 =	veq.s32 v20, $0xFFFFFF9C;
	vm8 =	veq.s32 v26, $0xFFFFFF9C  }
0x4a: {  	v42 =	vld [tilespmem:$0xF0];
	vm9 =	veq.s32 v28, $0xFFFFFF9C;
	vm10 =	veq.s32 v31, $0xFFFFFF9C;
	vm11 =	veq.s32 v18, $0xFFFFFF9C  }
0x4b: {  	vm12 =	veq.s32 v34, $0xFFFFFF9C;
	v8 =	vsel vm13, $0x0, v8;
	v9 =	vsel vm1, $0x0, v54  }
0x4c: {  	v10 =	vsel vm14, $0x0, v55;
	v11 =	vsel vm15, $0x0, v56;
	v14 =	vsel vm4, $0x0, v59  }
0x4d: {  	v22 =	vsel vm5, $0x0, v60;
	v29 =	vsel vm7, $0x0, v20;
	v17 =	vsel vm10, $0x0, v31  }
0x4e: {  	v36 =	vsel vm11, $0x0, v18;
	vm13 =	veq.s32 v19, $0xFFFFFF9C;
	vm14 =	veq.s32 v40, $0xFFFFFF9C  }
0x4f: {  	vm15 =	veq.s32 v42, $0xFFFFFF9C;
	v57 =	vshll.u32 v8, $0xD;
	v58 =	vshll.u32 v9, $0x3  }
0x50: {  	v8 =	vshll.u32 v8, $0x7;
	v61 =	vshll.u32 v10, $0xD;
	v62 =	vshll.u32 v11, $0x3  }
0x51: {  	v9 =	vand.u32 $0x7F, v9;
	v10 =	vshll.u32 v10, $0x7;
	v11 =	vand.u32 $0x7F, v11  }
0x52: {  	v23 =	vshll.u32 v14, $0xD;
	v15 =	vshll.u32 v22, $0x3;
	v27 =	vshll.u32 v14, $0x7  }
0x53: {  	v16 =	vshll.u32 v29, $0x3;
	v14 =	vsel vm9, $0x0, v28;
	v37 =	vshll.u32 v17, $0xD  }
0x54: {  	v18 =	vshll.u32 v36, $0x3;
	v41 =	vshll.u32 v17, $0x7;
	v43 =	vsel vm13, $0x0, v19  }
0x55: {  	v45 =	vsel vm14, $0x0, v40;
	v47 =	vsel vm15, $0x0, v42;
	v12 =	vand.u32 $0xFFFF0000, v57  }
0x56: {  	v13 =	vand.u32 $0xFFFFFC00, v58;
	v8 =	vand.u32 $0x380, v8;
	v10 =	vand.u32 $0x380, v10  }
0x57: {  	v24 =	vand.u32 $0xFFFF0000, v23;
	v25 =	vand.u32 $0xFFFFFC00, v15;
	v16 =	vand.u32 $0xFFFFFC00, v16  }
0x58: {  	v15 =	vsel vm8, $0x0, v26;
	v33 =	vshll.u32 v14, $0x3;
	v14 =	vand.u32 $0x7F, v14  }
0x59: {  	v38 =	vand.u32 $0xFFFF0000, v37;
	v39 =	vand.u32 $0xFFFFFC00, v18;
	v19 =	vshll.u32 v43, $0x3  }
0x5a: {  	v48 =	vshll.u32 v45, $0xD;
	v49 =	vshll.u32 v47, $0x3;
	v50 =	vshll.u32 v45, $0x7  }
0x5b: {  	v51 =	vand.u32 $0x7F, v43;
	v12 =	vadd.s32 v12, v13;
	v13 =	vand.u32 $0xFFFFFC00, v62  }
0x5c: {  	v32 =	vshll.u32 v15, $0xD;
	v8 =	vor.u32 v8, v12;
	v12 =	vand.u32 $0xFFFF0000, v61  }
0x5d: {  	v15 =	vshll.u32 v15, $0x7;
	v19 =	vand.u32 $0xFFFFFC00, v19;
	v12 =	vadd.s32 v12, v13  }
0x5e: {  	v8 =	vor.u32 v9, v8;
	v13 =	vsel vm6, $0x0, v63;
	v21 =	vor.u32 v10, v12  }
0x5f: {  	v12 =	vand.u32 $0x380, v27;
	v9 =	vor.u32 v11, v21;
	v11 =	vadd.s32 v24, v25  }
0x60: {  	v10 =	vand.u32 $0x7F, v22;
	v30 =	vshll.u32 v13, $0xD;
	v11 =	vor.u32 v12, v11  }
0x61: {  	v13 =	vshll.u32 v13, $0x7;
	v10 =	vor.u32 v10, v11;
	v11 =	vand.u32 $0xFFFF0000, v30  }
0x62: {  	v15 =	vand.u32 $0x380, v15;
	v13 =	vand.u32 $0x380, v13;
	v11 =	vadd.s32 v11, v16  }
0x63: {  	v16 =	vand.u32 $0xFFFFFC00, v33;
	v11 =	vor.u32 v13, v11;
	v13 =	vand.u32 $0xFFFF0000, v32  }
0x64: {  	v12 =	vand.u32 $0x7F, v29;
	[tilespmem:$0x210] =	vst v9;
	v9 =	vand.u32 $0xFFFF0000, v48;
	v13 =	vadd.s32 v13, v16  }
0x65: {  	v11 =	vor.u32 v12, v11;
	v16 =	vsel vm12, $0x0, v34;
	v35 =	vor.u32 v15, v13  }
0x66: {  	v15 =	vand.u32 $0x380, v41;
	v12 =	vor.u32 v14, v35;
	v14 =	vadd.s32 v38, v39  }
0x67: {  	[tilespmem:$0x200] =	vst v8;
	v13 =	vand.u32 $0x7F, v36;
	v44 =	vshll.u32 v16, $0xD;
	v14 =	vor.u32 v15, v14  }
0x68: {  	[tilespmem:$0x220] =	vst v10;
	v8 =	vshll.u32 v16, $0x7;
	v13 =	vor.u32 v13, v14;
	v14 =	vand.u32 $0xFFFF0000, v44  }
0x69: {  	v10 =	vand.u32 $0xFFFFFC00, v49;
	[tilespmem:$0x230] =	vst v11;
	v8 =	vand.u32 $0x380, v8;
	v46 =	vadd.s32 v14, v19  }
0x6a: {  	v52 =	vand.u32 $0x380, v50;
	v9 =	vadd.s32 v9, v10;
	[tilespmem:$0x240] =	vst v12;
	v8 =	vor.u32 v8, v46  }
0x6b: {  	v53 =	vand.u32 $0x7F, v47;
	v9 =	vor.u32 v52, v9;
	[tilespmem:$0x250] =	vst v13;
	v8 =	vor.u32 v51, v8  }
0x6c: {  	[tilespmem:$0x260] =	vst v8;
	v8 =	vor.u32 v53, v9  }
0x6d: {  	[tilespmem:$0x270] =	vst v8  }
0x6e: {  	[tilespmem:s17], [sflag:$0x3] =	stream.indirect.gather [hbm4b:s3+s11], $0x1, s16, s11, $0xb8;
	[tilespmem:$0x400] =	vst v63  }
0x6f: {  	v8 =	vld [tilespmem:$0x80]  }
0x70: {  	v54 =	vld [tilespmem:$0x90]  }
0x71: {  	v55 =	vld [tilespmem:$0xA0]  }
0x72: {  	v57 =	vld [tilespmem:$0xB0]  }
0x73: {  	v59 =	vld [tilespmem:$0xC0]  }
0x74: {  	v62 =	vld [tilespmem:$0xD0]  }
0x75: {  	v21 =	vld [tilespmem:$0xE0]  }
0x76: {  	v24 =	vld [tilespmem:$0xF0];
	_ =	sdelay $0x1  }
0x77: {  	vm4 =	veq.s32 v8, $0xFFFFFF9C  }
0x78: {  	vm5 =	veq.s32 v54, $0xFFFFFF9C;
	vm6 =	veq.s32 v55, $0xFFFFFF9C;
	vm7 =	veq.s32 v57, $0xFFFFFF9C  }
0x79: {  	vm8 =	veq.s32 v59, $0xFFFFFF9C;
	vm9 =	veq.s32 v62, $0xFFFFFF9C;
	vm10 =	veq.s32 v21, $0xFFFFFF9C  }
0x7a: {  	vm11 =	veq.s32 v24, $0xFFFFFF9C;
	v8 =	vsel vm4, $0x0, v8;
	v9 =	vsel vm5, $0x0, v54  }
0x7b: {  	v10 =	vsel vm6, $0x0, v55;
	v12 =	vsel vm7, $0x0, v57;
	v23 =	vsel vm8, $0x0, v59  }
0x7c: {  	v15 =	vsel vm9, $0x0, v62;
	v30 =	vsel vm10, $0x0, v21;
	v14 =	vsel vm11, $0x0, v24  }
0x7d: {  	v56 =	vshll.u32 v8, $0x3;
	v8 =	vand.u32 $0x7F, v8;
	v58 =	vshll.u32 v9, $0x3  }
0x7e: {  	v61 =	vshll.u32 v10, $0x3;
	v9 =	vand.u32 $0x7F, v9;
	v20 =	vshll.u32 v12, $0x3  }
0x7f: {  	v10 =	vand.u32 $0x7F, v10;
	v12 =	vand.u32 $0x7F, v12;
	v25 =	vshll.u32 v23, $0x3  }
0x80: {  	v27 =	vshll.u32 v15, $0x3;
	v31 =	vand.u32 $0x7F, v15;
	v32 =	vshll.u32 v30, $0x3  }
0x81: {  	v34 =	vshll.u32 v14, $0x3;
	v35 =	vand.u32 $0x7F, v30;
	v11 =	vand.u32 $0xFFFFFC00, v56  }
0x82: {  	v60 =	vand.u32 $0xFFFFFC00, v58;
	v13 =	vand.u32 $0xFFFFFC00, v61;
	v11 =	vadd.s32 v0, v11  }
0x83: {  	v26 =	vand.u32 $0xFFFFFC00, v25;
	v63 =	vadd.s32 v2, v13;
	v8 =	vor.u32 v8, v11  }
0x84: {  	v13 =	vand.u32 $0xFFFFFC00, v20;
	v11 =	vadd.s32 v1, v60;
	v10 =	vor.u32 v10, v63;
	[tilespmem:$0x180] =	vst v8  }
0x85: {  	v28 =	vand.u32 $0xFFFFFC00, v27;
	v22 =	vadd.s32 v3, v13;
	v9 =	vor.u32 v9, v11;
	[tilespmem:$0x1A0] =	vst v10  }
0x86: {  	v13 =	vand.u32 $0x7F, v23;
	v11 =	vor.u32 v12, v22;
	v12 =	vadd.s32 v4, v26;
	[tilespmem:$0x190] =	vst v9  }
0x87: {  	v33 =	vand.u32 $0xFFFFFC00, v32;
	v29 =	vadd.s32 v5, v28;
	v8 =	vor.u32 v13, v12;
	[tilespmem:$0x1B0] =	vst v11  }
0x88: {  	v9 =	vor.u32 v31, v29;
	v11 =	vand.u32 $0xFFFFFC00, v34;
	[tilespmem:$0x1C0] =	vst v8;
	v8 =	vadd.s32 v6, v33  }
0x89: {  	v37 =	vand.u32 $0x7F, v14;
	[tilespmem:$0x1D0] =	vst v9;
	v36 =	vadd.s32 v7, v11;
	v8 =	vor.u32 v35, v8  }
0x8a: {  	[tilespmem:$0x1E0] =	vst v8;
	v8 =	vor.u32 v37, v36  }
0x8b: {  	[tilespmem:$0x1F0] =	vst v8  }
0x8c: {  	[tilespmem:s19], [sflag:$0x2] =	stream.indirect.gather [hbm4b:s2+s11], $0x1, s18, s11, $0xb8;
	[tilespmem:$0x400] =	vst v63  }
0x8d: {  	_ =	swait.ge [sflag:s20], $0x80  }
0x8e: {  	[sflag:s20] =	ssyncset.done $0x0  }
0x8f: {  	[sflag:s20] =	ssyncadd.s32 $0xFFFFFF80  }
0x90: {  	_ =	swait.ge [sflag:s21], $0x80  }
0x91: {  	[sflag:s21] =	ssyncset.done $0x0  }
0x92: {  	[sflag:s21] =	ssyncadd.s32 $0xFFFFFF80  }
0x93: {  	v8 =	vld [tilespmem:$0x380]  }
0x94: {  	v38 =	vld [tilespmem:$0x0]  }
0x95: {  	v39 =	vld [tilespmem:$0x280]  }
0x96: {  	v40 =	vld [tilespmem:$0x390]  }
0x97: {  	v41 =	vld [tilespmem:$0x10]  }
0x98: {  	v42 =	vld [tilespmem:$0x290]  }
0x99: {  	v43 =	vld [tilespmem:$0x3A0]  }
0x9a: {  	v44 =	vld [tilespmem:$0x20]  }
0x9b: {  	v45 =	vld [tilespmem:$0x2A0]  }
0x9c: {  	v46 =	vld [tilespmem:$0x3B0]  }
0x9d: {  	v47 =	vld [tilespmem:$0x30]  }
0x9e: {  	v20 =	vld [tilespmem:$0x3C0]  }
0x9f: {  	v21 =	vld [tilespmem:$0x40]  }
0xa0: {  	v23 =	vld [tilespmem:$0x3D0]  }
0xa1: {  	v54 =	vld [tilespmem:$0x3E0]  }
0xa2: {  	v48 =	vld [tilespmem:$0x2B0];
	v8 =	vmax.f32 v8, $0.0e+00  }
0xa3: {  	v22 =	vld [tilespmem:$0x2C0];
	v11 =	vmax.f32 v40, $0.0e+00;
	vm12 =	veq.s32 v38, $0xFFFFFF9C;
	vm13 =	veq.s32 v41, $0xFFFFFF9C  }
0xa4: {  	v50 =	vld [tilespmem:$0x50];
	v53 =	vmax.f32 v43, $0.0e+00;
	v55 =	vmax.f32 v46, $0.0e+00;
	v57 =	vmax.f32 v20, $0.0e+00  }
0xa5: {  	v58 =	vld [tilespmem:$0x3F0];
	vm14 =	veq.s32 v44, $0xFFFFFF9C;
	vm15 =	veq.s32 v47, $0xFFFFFF9C;
	vm4 =	veq.s32 v21, $0xFFFFFF9C  }
0xa6: {  	v52 =	vld [tilespmem:$0x2D0];
	v62 =	vmax.f32 v23, $0.0e+00;
	v13 =	vmax.f32 v54, $0.0e+00;
	v8 =	vmin.f32 v8, $1.000000000e+00  }
0xa7: {  	v56 =	vld [tilespmem:$0x60];
	v49 =	vmin.f32 v11, $1.000000000e+00;
	v12 =	vmin.f32 v53, $1.000000000e+00;
	v8 =	vmul.f32 v8, v39  }
0xa8: {  	v60 =	vld [tilespmem:$0x2E0];
	v14 =	vmin.f32 v55, $1.000000000e+00;
	v59 =	vmin.f32 v57, $1.000000000e+00;
	v51 =	vmul.f32 v49, v42  }
0xa9: {  	v61 =	vld [tilespmem:$0x2F0];
	v12 =	vmul.f32 v12, v45;
	v14 =	vmul.f32 v14, v48;
	v8 =	vsel vm12, $0x3F800000, v8  }
0xaa: {  	v63 =	vld [tilespmem:$0x70];
	v23 =	vmax.f32 v58, $0.0e+00;
	v15 =	vmul.f32 v59, v22;
	v9 =	vsel vm13, $0x3F800000, v51;
	[tilespmem:$0x280] =	vst v8  }
0xab: {  	v12 =	vsel vm14, $0x3F800000, v12;
	v8 =	vsel vm15, $0x3F800000, v14;
	[tilespmem:$0x290] =	vst v9;
	v14 =	vmin.f32 v62, $1.000000000e+00  }
0xac: {  	vm5 =	veq.s32 v50, $0xFFFFFF9C;
	v22 =	vmin.f32 v13, $1.000000000e+00;
	[tilespmem:$0x2A0] =	vst v12;
	v10 =	vmul.f32 v14, v52  }
0xad: {  	v24 =	vmin.f32 v23, $1.000000000e+00;
	v21 =	vsel vm4, $0x3F800000, v15;
	[tilespmem:$0x2B0] =	vst v8;
	v8 =	vmul.f32 v22, v60  }
0xae: {  	vm6 =	veq.s32 v56, $0xFFFFFF9C;
	v26 =	vmul.f32 v24, v61;
	[tilespmem:$0x2C0] =	vst v21;
	v25 =	vsel vm5, $0x3F800000, v10  }
0xaf: {  	vm7 =	veq.s32 v63, $0xFFFFFF9C;
	v8 =	vsel vm6, $0x3F800000, v8;
	[tilespmem:$0x2D0] =	vst v25  }
0xb0: {  	[tilespmem:$0x2E0] =	vst v8;
	v8 =	vsel vm7, $0x3F800000, v26  }
0xb1: {  	[tilespmem:$0x2F0] =	vst v8  }
0xb2: {  	[hbm4b:s8+s5] =	stream.linear.scatter [tilespmem:s14], [sflag:$0x4], $0x80, $0x38;
	[tilespmem:$0x400] =	vst v63  }
0xb3: {  	_ =	swait.ge [sflag:s22], $0x80  }
0xb4: {  	[sflag:s22] =	ssyncset.done $0x0  }
0xb5: {  	[sflag:s22] =	ssyncadd.s32 $0xFFFFFF80  }
0xb6: {  	v8 =	vld [tilespmem:$0x380]  }
0xb7: {  	v27 =	vld [tilespmem:$0x80]  }
0xb8: {  	v28 =	vld [tilespmem:$0x300]  }
0xb9: {  	v29 =	vld [tilespmem:$0x390]  }
0xba: {  	v30 =	vld [tilespmem:$0x90]  }
0xbb: {  	v31 =	vld [tilespmem:$0x310]  }
0xbc: {  	v32 =	vld [tilespmem:$0x3A0]  }
0xbd: {  	v33 =	vld [tilespmem:$0xA0]  }
0xbe: {  	v34 =	vld [tilespmem:$0x320]  }
0xbf: {  	v35 =	vld [tilespmem:$0x3B0]  }
0xc0: {  	v36 =	vld [tilespmem:$0xB0]  }
0xc1: {  	v38 =	vld [tilespmem:$0x3C0]  }
0xc2: {  	v39 =	vld [tilespmem:$0xC0]  }
0xc3: {  	v41 =	vld [tilespmem:$0x3D0]  }
0xc4: {  	v47 =	vld [tilespmem:$0x3E0]  }
0xc5: {  	v50 =	vld [tilespmem:$0x3F0];
	v8 =	vmax.f32 v8, $0.0e+00  }
0xc6: {  	v43 =	vld [tilespmem:$0xD0];
	v42 =	vmax.f32 v29, $0.0e+00;
	vm8 =	veq.s32 v27, $0xFFFFFF9C;
	v45 =	vmax.f32 v32, $0.0e+00  }
0xc7: {  	v37 =	vld [tilespmem:$0x330];
	vm9 =	veq.s32 v30, $0xFFFFFF9C;
	v48 =	vmax.f32 v35, $0.0e+00;
	vm10 =	veq.s32 v33, $0xFFFFFF9C  }
0xc8: {  	v40 =	vld [tilespmem:$0x340];
	v51 =	vmax.f32 v38, $0.0e+00;
	vm11 =	veq.s32 v36, $0xFFFFFF9C;
	v53 =	vmax.f32 v41, $0.0e+00  }
0xc9: {  	v46 =	vld [tilespmem:$0x350];
	vm12 =	veq.s32 v39, $0xFFFFFF9C;
	v13 =	vmax.f32 v47, $0.0e+00;
	v8 =	vmin.f32 v8, $1.000000000e+00  }
0xca: {  	v49 =	vld [tilespmem:$0xE0];
	v61 =	vmax.f32 v50, $0.0e+00;
	v44 =	vmin.f32 v42, $1.000000000e+00;
	v8 =	vmul.f32 v8, v28  }
0xcb: {  	v52 =	vld [tilespmem:$0x360];
	vm13 =	veq.s32 v43, $0xFFFFFF9C;
	v10 =	vmin.f32 v45, $1.000000000e+00;
	v9 =	vmul.f32 v44, v31  }
0xcc: {  	v54 =	vld [tilespmem:$0x370];
	v12 =	vmin.f32 v48, $1.000000000e+00;
	v10 =	vmul.f32 v10, v34;
	v8 =	vsel vm8, $0x3F800000, v8  }
0xcd: {  	v57 =	vld [tilespmem:$0xF0];
	v17 =	vmin.f32 v51, $1.000000000e+00;
	v12 =	vmul.f32 v12, v37;
	v9 =	vsel vm9, $0x3F800000, v9;
	[tilespmem:$0x300] =	vst v8  }
0xce: {  	v56 =	vmin.f32 v53, $1.000000000e+00;
	v55 =	vmul.f32 v17, v40;
	v10 =	vsel vm10, $0x3F800000, v10;
	[tilespmem:$0x310] =	vst v9  }
0xcf: {  	v60 =	vmin.f32 v13, $1.000000000e+00;
	v58 =	vmul.f32 v56, v46;
	v8 =	vsel vm11, $0x3F800000, v12;
	[tilespmem:$0x320] =	vst v10  }
0xd0: {  	v62 =	vmin.f32 v61, $1.000000000e+00;
	v59 =	vsel vm12, $0x3F800000, v55;
	[tilespmem:$0x330] =	vst v8;
	v8 =	vmul.f32 v60, v52  }
0xd1: {  	vm14 =	veq.s32 v49, $0xFFFFFF9C;
	v63 =	vmul.f32 v62, v54;
	[tilespmem:$0x340] =	vst v59;
	v9 =	vsel vm13, $0x3F800000, v58  }
0xd2: {  	vm15 =	veq.s32 v57, $0xFFFFFF9C;
	[tilespmem:$0x350] =	vst v9;
	v8 =	vsel vm14, $0x3F800000, v8  }
0xd3: {  	[tilespmem:$0x360] =	vst v8;
	v8 =	vsel vm15, $0x3F800000, v63  }
0xd4: {  	[tilespmem:$0x370] =	vst v8  }
0xd5: {  	[hbm4b:s9+s5] =	stream.linear.scatter [tilespmem:s19], [sflag:$0x5], $0x80, $0x38;
	[tilespmem:$0x400] =	vst v63  }
0xd6: {  	p0 =	sne.s32 s10, $0x1;
	_ =	swait.ge [sflag:s12], $0x80  }
.Ltmp0:
0xd7: {  	[sflag:s12] =	ssyncset.done $0x0;
	(pc) =	sbr.rel @p0 .LBB2_1-.Ltmp0, $4  }
0xd8: {  	[sflag:s12] =	ssyncadd.s32 $0xFFFFFF80  }
0xd9: {  	_ =	swait.ge [sflag:s15], $0x80  }
0xda: {  	[sflag:s15] =	ssyncset.done $0x0  }
0xdb: {  	s10 =	sadd.s32 $0xFFFFFFFF, s10;
	[sflag:s15] =	ssyncadd.s32 $0xFFFFFF80  }
0xdc: {  	_ =	sfence.sel $0x180000  }
0xdd: {  	[bflag:$0x0] =	sbarrier.arrive $0xFFFF  }
0xde: {  	p0 =	sne.s32 s0, $0x0;
	_ =	strace $0x90000047  }
0xdf: {  	s0 =	sadd.s32 @!p0 $0x100000, s4;
	[bflag:$0x2] =	sbarrier.arrive $0xFFFF  }
0xe0: {  	[sflag:s0] =	ssyncadd.tile.s32 @!p0 $0x1;
	_ =	shalt  }
.Lfunc_end2:
_tile_overlayer_lowered:
.L_overlay_start_2:
0xe1: {  	(tag) =	ssettag $0x2  }
0xe2: {  	s0 =	rddreg [dreg:$0x0];
	s2 =	stileid.u32  }
0xe3: {  	s1 =	rddreg [dreg:$0x1];
	p0 =	sne.s32 s2, $0x0  }
0xe4: {  	s3 =	rddreg [dreg:$0x2];
	[bflag:$0x3] =	sbarrier.arrive $0xFFFF;
	s2 =	simm.s32 @!p0 $0x1C06  }
0xe5: {  	[timem:s3], [sflag:s2] =	dma.local @!p0 [hbm:s0], s1  }
0xe6: {  	s0 =	simm.s32 @!p0 $0x6  }
0xe7: {  	_ =	swait.ge @!p0 [sflag:s0], s1  }
0xe8: {  	s1 =	ssub.s32 @!p0 $0x0, s1;
	[sflag:s0] =	ssyncset.done @!p0 $0x0  }
0xe9: {  	[sflag:s0] =	ssyncadd.s32 @!p0 s1  }
0xea: {  	[bflag:$0x3] =	sbarrier.arrive $0xFFFF  }
0xeb: {  	_ =	shalt  }

</sc_bundles>
